<compile_context>
chip_gen: v7x
topology: tpu7x:2x2x1
jax: 0.10.2.dev20260603
libtpu: 0.0.44.dev20260713+nightly
codegen_flags: <defaults>
</compile_context>

<pallas_src>
import functools
import math

import jax
import jax.numpy as jnp
from jax import lax
from jax.experimental import pallas as pl
from jax.experimental.pallas import tpu as pltpu
from jax.experimental.pallas import tpu_sc as plsc

N_NODES = 10000
N_PAD = 10240
N_EDGES = 320000
D_MODEL = 128
D_FF = 256
N_EXP = 64

NC = 2
NS = 16
NW = NC * NS
CHUNK = 128
EPW_PAD = 10112
NCHUNK = EPW_PAD // CHUNK
SUB_LEN = N_PAD // NS


def _sc_graph_agg(feats, srcs, dsts, z128, ones128):
    mesh = plsc.VectorSubcoreMesh(core_axis_name="c", subcore_axis_name="s")

    @functools.partial(
        pl.kernel,
        mesh=mesh,
        out_type=[
            jax.ShapeDtypeStruct((NC, N_PAD, D_MODEL), jnp.float32),
            jax.ShapeDtypeStruct((NC, N_PAD, D_MODEL), jnp.float32),
        ],
        scratch_types=[
            pltpu.VMEM_SHARED((N_PAD, D_MODEL), jnp.float32),
            pltpu.VMEM((CHUNK,), jnp.int32),
            pltpu.VMEM((CHUNK,), jnp.int32),
            pltpu.VMEM((CHUNK, D_MODEL), jnp.float32),
            pltpu.SemaphoreType.DMA,
        ],
    )
    def k(feats_hbm, srcs_hbm, dsts_hbm, z128_hbm, ones_hbm, agg_out, deg_out,
          agg_sh, src_v, dst_v, rows_v, sem):
        c = lax.axis_index("c")
        s = lax.axis_index("s")
        wid = c * NS + s
        r0 = pl.multiple_of(s * SUB_LEN, 8)
        e0 = wid * EPW_PAD

        def zero_acc():
            pltpu.sync_copy(z128_hbm.at[pl.ds(r0, SUB_LEN)],
                            agg_sh.at[pl.ds(r0, SUB_LEN)])

        def drain(dst_hbm):
            pltpu.sync_copy(agg_sh.at[pl.ds(r0, SUB_LEN)],
                            dst_hbm.at[c, pl.ds(r0, SUB_LEN)])

        zero_acc()
        plsc.subcore_barrier()

        def body(i, carry):
            off = pl.multiple_of(e0 + i * CHUNK, 8)
            pltpu.sync_copy(srcs_hbm.at[pl.ds(off, CHUNK)], src_v)
            pltpu.sync_copy(dsts_hbm.at[pl.ds(off, CHUNK)], dst_v)
            pltpu.async_copy(feats_hbm.at[src_v], rows_v, sem).wait()
            pltpu.sync_copy(rows_v, agg_sh.at[dst_v], add=True)
            return carry

        lax.fori_loop(0, NCHUNK, body, 0)
        plsc.subcore_barrier()
        drain(agg_out)
        plsc.subcore_barrier()

        zero_acc()
        plsc.subcore_barrier()
        pltpu.sync_copy(ones_hbm, rows_v)

        def body2(i, carry):
            off = pl.multiple_of(e0 + i * CHUNK, 8)
            pltpu.sync_copy(dsts_hbm.at[pl.ds(off, CHUNK)], dst_v)
            pltpu.sync_copy(rows_v, agg_sh.at[dst_v], add=True)
            return carry

        lax.fori_loop(0, NCHUNK, body2, 0)
        plsc.subcore_barrier()
        drain(deg_out)

    return k(feats, srcs, dsts, z128, ones128)


_RB = 1280
_NB = N_PAD // _RB
_SQRT2 = math.sqrt(2.0)


def _moe_body(agg_ref, deg_ref, wc_ref, bc_ref, wg_ref, w1_ref, b1_ref,
              w2_ref, b2_ref, x_ref, s_ref, ss_ref):
    b = pl.program_id(0)
    row = lax.broadcasted_iota(jnp.int32, (_RB, 1), 0) + b * _RB
    valid = row < N_NODES
    agg = jnp.where(valid, agg_ref[0] + agg_ref[1], 0.0)
    deg = jnp.where(valid, deg_ref[0, :, 0:1] + deg_ref[1, :, 0:1], 1.0)
    h = (agg / jnp.maximum(deg, 1.0)) @ wc_ref[...] + bc_ref[...]
    logits = h @ wg_ref[...]
    iota = lax.broadcasted_iota(jnp.int32, logits.shape, 1)
    m1 = jnp.max(logits, axis=1, keepdims=True)
    i1 = jnp.min(jnp.where(logits == m1, iota, N_EXP), axis=1, keepdims=True)
    neg = jnp.where(iota == i1, -jnp.inf, logits)
    m2 = jnp.max(neg, axis=1, keepdims=True)
    i2 = jnp.min(jnp.where(neg == m2, iota, N_EXP), axis=1, keepdims=True)
    g1 = 1.0 / (1.0 + jnp.exp(m2 - m1))
    g2 = 1.0 - g1

    def ebody(e, acc):
        hid = h @ w1_ref[e] + b1_ref[e][None, :]
        hid = 0.5 * hid * (1.0 + lax.erf(hid / _SQRT2))
        y = hid @ w2_ref[e] + b2_ref[e][None, :]
        ge = jnp.where(i1 == e, g1, 0.0) + jnp.where(i2 == e, g2, 0.0)
        return acc + y * ge

    acc = lax.fori_loop(0, N_EXP, ebody, jnp.zeros((_RB, D_MODEL), jnp.float32))
    x = jnp.where(valid, h + acc, 0.0)
    x_ref[...] = x
    s_ref[...] = jnp.sum(x, axis=0, keepdims=True)[None]
    ss_ref[...] = jnp.sum(x * x, axis=0, keepdims=True)[None]


def _tc_moe(agg, deg, W_conv, b_conv, W_gate, w1, b1, w2, b2):
    return pl.pallas_call(
        _moe_body,
        grid=(_NB,),
        in_specs=[
            pl.BlockSpec((NC, _RB, D_MODEL), lambda b: (0, b, 0)),
            pl.BlockSpec((NC, _RB, D_MODEL), lambda b: (0, b, 0)),
            pl.BlockSpec((D_MODEL, D_MODEL), lambda b: (0, 0)),
            pl.BlockSpec((1, D_MODEL), lambda b: (0, 0)),
            pl.BlockSpec((D_MODEL, N_EXP), lambda b: (0, 0)),
            pl.BlockSpec((N_EXP, D_MODEL, D_FF), lambda b: (0, 0, 0)),
            pl.BlockSpec((N_EXP, D_FF), lambda b: (0, 0)),
            pl.BlockSpec((N_EXP, D_FF, D_MODEL), lambda b: (0, 0, 0)),
            pl.BlockSpec((N_EXP, D_MODEL), lambda b: (0, 0)),
        ],
        out_specs=[
            pl.BlockSpec((_RB, D_MODEL), lambda b: (b, 0)),
            pl.BlockSpec((1, 1, D_MODEL), lambda b: (b, 0, 0)),
            pl.BlockSpec((1, 1, D_MODEL), lambda b: (b, 0, 0)),
        ],
        out_shape=[
            jax.ShapeDtypeStruct((N_PAD, D_MODEL), jnp.float32),
            jax.ShapeDtypeStruct((_NB, 1, D_MODEL), jnp.float32),
            jax.ShapeDtypeStruct((_NB, 1, D_MODEL), jnp.float32),
        ],
    )(agg, deg, W_conv, b_conv.reshape(1, -1), W_gate, w1, b1, w2, b2)


def _bn_body(x_ref, s_ref, ss_ref, gamma_ref, beta_ref, y_ref):
    n = jnp.float32(N_NODES)
    mean = jnp.sum(s_ref[:, 0, :], axis=0, keepdims=True) / n
    ex2 = jnp.sum(ss_ref[:, 0, :], axis=0, keepdims=True) / n
    var = ex2 - mean * mean
    y_ref[...] = ((x_ref[...] - mean) * lax.rsqrt(var + 1e-5)
                  * gamma_ref[...] + beta_ref[...])


def _tc_bn(x, s, ss, gamma, beta):
    return pl.pallas_call(
        _bn_body,
        grid=(_NB,),
        in_specs=[
            pl.BlockSpec((_RB, D_MODEL), lambda b: (b, 0)),
            pl.BlockSpec((_NB, 1, D_MODEL), lambda b: (0, 0, 0)),
            pl.BlockSpec((_NB, 1, D_MODEL), lambda b: (0, 0, 0)),
            pl.BlockSpec((1, D_MODEL), lambda b: (0, 0)),
            pl.BlockSpec((1, D_MODEL), lambda b: (0, 0)),
        ],
        out_specs=pl.BlockSpec((_RB, D_MODEL), lambda b: (b, 0)),
        out_shape=jax.ShapeDtypeStruct((N_PAD, D_MODEL), jnp.float32),
    )(x, s, ss, gamma.reshape(1, -1), beta.reshape(1, -1))


def kernel(feats, graph, W_conv, b_conv, W_gate, w1, b1, w2, b2, gamma, beta):
    npadw = EPW_PAD - N_EDGES // NW
    dummy_dst = jnp.broadcast_to(
        N_NODES + jnp.arange(npadw, dtype=jnp.int32)[None, :], (NW, npadw))
    srcs = jnp.concatenate(
        [graph[0].reshape(NW, -1), jnp.zeros((NW, npadw), jnp.int32)],
        axis=1).reshape(-1)
    dsts = jnp.concatenate(
        [graph[1].reshape(NW, -1), dummy_dst], axis=1).reshape(-1)
    z128 = jnp.zeros((N_PAD, D_MODEL), jnp.float32)
    ones128 = jnp.ones((CHUNK, D_MODEL), jnp.float32)
    agg, deg = _sc_graph_agg(feats, srcs, dsts, z128, ones128)
    x, s, ss = _tc_moe(agg, deg, W_conv, b_conv, W_gate, w1, b1, w2, b2)
    y = _tc_bn(x, s, ss, gamma, beta)
    return y[:N_NODES]

# --- scband reference (transcript-rebuilt; emitter-appended) ---
"""Pipeline reference for scband-graph-conv-block-11871289606705 (READ-ONLY COPY).

The authoritative reference and input builder live on the scoring server;
editing this copy changes nothing except your own understanding.
"""

import jax, jax.numpy as jnp
import numpy as np

N_NODES = 10000
N_EDGES = 320000
D_MODEL = 128
D_FF = 256
N_EXP = 64
TOP_K = 2


def setup_inputs(seed: int = 0) -> dict:
    key = jax.random.key(seed)
    ks = jax.random.split(key, 12)
    feats = jax.random.normal(ks[0], (N_NODES, D_MODEL), dtype=jnp.float32)
    graph = jax.random.randint(ks[1], (2, N_EDGES), 0, N_NODES, dtype=jnp.int32)
    W_conv = jax.random.normal(ks[2], (D_MODEL, D_MODEL), dtype=jnp.float32) / np.sqrt(D_MODEL)
    b_conv = jnp.zeros((D_MODEL,), dtype=jnp.float32)
    W_gate = jax.random.normal(ks[3], (D_MODEL, N_EXP), dtype=jnp.float32) / np.sqrt(D_MODEL)
    w1 = jax.random.normal(ks[4], (N_EXP, D_MODEL, D_FF), dtype=jnp.float32) / np.sqrt(D_MODEL)
    b1 = jnp.zeros((N_EXP, D_FF), dtype=jnp.float32)
    w2 = jax.random.normal(ks[5], (N_EXP, D_FF, D_MODEL), dtype=jnp.float32) / np.sqrt(D_FF)
    b2 = jnp.zeros((N_EXP, D_MODEL), dtype=jnp.float32)
    gamma = jnp.ones((D_MODEL,), dtype=jnp.float32)
    beta = jnp.zeros((D_MODEL,), dtype=jnp.float32)
    return {"feats": feats, "graph": graph, "W_conv": W_conv, "b_conv": b_conv,
            "W_gate": W_gate, "w1": w1, "b1": b1, "w2": w2, "b2": b2,
            "gamma": gamma, "beta": beta}


def _moe_ff(h, W_gate, w1, b1, w2, b2):
    # fmoe-style top-k gating: top_k over expert logits, softmax over the selected logits
    logits = h @ W_gate                       # [N, E]
    top_vals, top_idx = jax.lax.top_k(logits, TOP_K)  # [N, K]
    gates = jax.nn.softmax(top_vals, axis=-1)          # [N, K]

    def body(acc, params):
        w1_e, b1_e, w2_e, b2_e, e = params
        hid = jax.nn.gelu(h @ w1_e + b1_e, approximate=False)  # nn.GELU default (exact)
        y = hid @ w2_e + b2_e                                   # [N, D]
        gate_e = jnp.sum(jnp.where(top_idx == e, gates, 0.0), axis=-1)  # [N]
        return acc + y * gate_e[:, None], None

    es = jnp.arange(N_EXP, dtype=jnp.int32)
    acc0 = jnp.zeros_like(h)
    out, _ = jax.lax.scan(body, acc0, (w1, b1, w2, b2, es))
    return out


def reference(feats, graph, W_conv, b_conv, W_gate, w1, b1, w2, b2, gamma, beta):
    src = graph[0]
    dst = graph[1]
    # graph conv: mean aggregation over in-neighbors, then linear
    msg = jnp.take(feats, src, axis=0)                              # gather [E, D]
    agg = jax.ops.segment_sum(msg, dst, num_segments=N_NODES)       # scatter-add [N, D]
    deg = jax.ops.segment_sum(jnp.ones((N_EDGES,), feats.dtype), dst, num_segments=N_NODES)
    h = agg / jnp.maximum(deg, 1.0)[:, None]
    h = h @ W_conv + b_conv                                         # new_feats [N, D]

    # CustomizedMoEPositionwiseFF: moe ffn -> dropout(0) -> batchnorm(inp + core)
    core = _moe_ff(h, W_gate, w1, b1, w2, b2)
    x = h + core
    mean = jnp.mean(x, axis=0)
    var = jnp.var(x, axis=0)
    y = (x - mean) / jnp.sqrt(var + 1e-5) * gamma + beta  # BatchNorm1d (batch stats)
    return y

if __name__ == "__main__":
    import jax
    _d = setup_inputs()
    print(jax.jit(kernel)(*tuple(_d.values())))

</pallas_src>

<mosaic_0001>
#map = affine_map<(d0, d1) -> (0, 0)>
#map1 = affine_map<(d0, d1) -> (0)>
#map2 = affine_map<(d0, d1) -> (0, 0, 0)>
module attributes {stable_mosaic.version = 14 : i64} {
  func.func @k(%arg0: i32, %arg1: i32, %arg2: memref<10000x128xf32, #tpu.memory_space<hbm>>, %arg3: memref<323584xi32, #tpu.memory_space<hbm>>, %arg4: memref<323584xi32, #tpu.memory_space<hbm>>, %arg5: memref<10240x128xf32, #tpu.memory_space<hbm>>, %arg6: memref<128x128xf32, #tpu.memory_space<hbm>>, %arg7: memref<2x10240x128xf32, #tpu.memory_space<hbm>>, %arg8: memref<2x10240x128xf32, #tpu.memory_space<hbm>>, %arg9: memref<10240x128xf32, #tpu.memory_space<vmem_shared>>, %arg10: memref<128xi32, #tpu.memory_space<vmem>>, %arg11: memref<128xi32, #tpu.memory_space<vmem>>, %arg12: memref<128x128xf32, #tpu.memory_space<vmem>>, %arg13: memref<!tpu.dma_semaphore, #tpu.memory_space<semaphore_mem>>) attributes {dimension_semantics = [#tpu.dimension_semantics<core_parallel>, #tpu.dimension_semantics<subcore_parallel>], iteration_bounds = array<i64: 2, 16>, scalar_prefetch = 0 : i64, scratch_operands = 5 : i64, tpu.core_type = #tpu.core_type<sc_vector_subcore>, window_params = [{transform_indices = #map}, {transform_indices = #map1}, {transform_indices = #map1}, {transform_indices = #map}, {transform_indices = #map}, {transform_indices = #map2}, {transform_indices = #map2}]} {
    %mul3A = arith.constant 16 : i32
    %mul3A_0 = arith.muli %arg0, %mul3A : i32
    %add3A = arith.addi %mul3A_0, %arg1 : i32
    %mul3A_1 = arith.constant 640 : i32
    %mul3A_2 = arith.muli %arg1, %mul3A_1 : i32
    %multiple_of3A = tpu.assume_multiple %mul3A_2, 8 : i32
    %mul3A_3 = arith.constant 10112 : i32
    %mul3A_4 = arith.muli %add3A, %mul3A_3 : i32
    "tpu.region"() ({
      %run_scoped3A = tpu.sem_alloc : memref<!tpu.dma_semaphore, #tpu.memory_space<semaphore_mem>>
      %dma_start3A = arith.constant 0 : i32
      %dma_start3A_20 = tpu.memref_slice %arg9[%multiple_of3A, %dma_start3A] : memref<10240x128xf32, #tpu.memory_space<vmem_shared>> -> memref<640x128xf32, #tpu.memory_space<vmem_shared>>
      %dma_start3A_21 = arith.constant 0 : i32
      %dma_start3A_22 = tpu.memref_slice %arg5[%multiple_of3A, %dma_start3A_21] : memref<10240x128xf32, #tpu.memory_space<hbm>> -> memref<640x128xf32, #tpu.memory_space<hbm>>
      tpu.enqueue_dma source(%dma_start3A_22 : memref<640x128xf32, #tpu.memory_space<hbm>>) target(%dma_start3A_20 : memref<640x128xf32, #tpu.memory_space<vmem_shared>>) target_semaphore(%run_scoped3A : memref<!tpu.dma_semaphore, #tpu.memory_space<semaphore_mem>>)
      %dma_wait3A = arith.constant 0 : i32
      %dma_wait3A_23 = tpu.memref_slice %arg9[%multiple_of3A, %dma_wait3A] : memref<10240x128xf32, #tpu.memory_space<vmem_shared>> -> memref<640x128xf32, #tpu.memory_space<vmem_shared>>
      %dma_wait3A_24 = arith.constant 0 : i32
      %dma_wait3A_25 = tpu.memref_slice %arg5[%multiple_of3A, %dma_wait3A_24] : memref<10240x128xf32, #tpu.memory_space<hbm>> -> memref<640x128xf32, #tpu.memory_space<hbm>>
      tpu.wait_dma2 semaphore(%run_scoped3A : memref<!tpu.dma_semaphore, #tpu.memory_space<semaphore_mem>>) src(%dma_wait3A_25 : memref<640x128xf32, #tpu.memory_space<hbm>>) dst(%dma_wait3A_23 : memref<640x128xf32, #tpu.memory_space<vmem_shared>>)
      tpu.yield
    }) : () -> ()
    %barrier3A = arith.constant 0 : index
    tpu.barrier barrier_id(%barrier3A)
    %scan3A = arith.constant 0 : i32
    %scan3A_5 = arith.constant 0 : i32
    %scan3A_6 = arith.constant 79 : i32
    %scan3A_7 = arith.addi %scan3A_5, %scan3A_6 : i32
    %scan3A_8 = arith.constant 1 : i32
    scf.for %scan3A_20 = %scan3A_5 to %scan3A_7 step %scan3A_8  : i32 {
      %mul3A_21 = arith.constant 128 : i32
      %mul3A_22 = arith.muli %scan3A_20, %mul3A_21 : i32
      %add3A_23 = arith.addi %mul3A_4, %mul3A_22 : i32
      %multiple_of3A_24 = tpu.assume_multiple %add3A_23, 8 : i32
      "tpu.region"() ({
        %run_scoped3A = tpu.sem_alloc : memref<!tpu.dma_semaphore, #tpu.memory_space<semaphore_mem>>
        %dma_start3A_29 = tpu.memref_slice %arg3[%multiple_of3A_24] : memref<323584xi32, #tpu.memory_space<hbm>> -> memref<128xi32, #tpu.memory_space<hbm>>
        %dma_start3A_30 = tpu.memref_slice %arg3[%multiple_of3A_24] : memref<323584xi32, #tpu.memory_space<hbm>> -> memref<128xi32, #tpu.memory_space<hbm>>
        tpu.enqueue_dma source(%dma_start3A_30 : memref<128xi32, #tpu.memory_space<hbm>>) target(%arg10 : memref<128xi32, #tpu.memory_space<vmem>>) target_semaphore(%run_scoped3A : memref<!tpu.dma_semaphore, #tpu.memory_space<semaphore_mem>>)
        %dma_wait3A_31 = tpu.memref_slice %arg3[%multiple_of3A_24] : memref<323584xi32, #tpu.memory_space<hbm>> -> memref<128xi32, #tpu.memory_space<hbm>>
        %dma_wait3A_32 = tpu.memref_slice %arg3[%multiple_of3A_24] : memref<323584xi32, #tpu.memory_space<hbm>> -> memref<128xi32, #tpu.memory_space<hbm>>
        tpu.wait_dma2 semaphore(%run_scoped3A : memref<!tpu.dma_semaphore, #tpu.memory_space<semaphore_mem>>) src(%dma_wait3A_32 : memref<128xi32, #tpu.memory_space<hbm>>) dst(%arg10 : memref<128xi32, #tpu.memory_space<vmem>>)
        tpu.yield
      }) : () -> ()
      "tpu.region"() ({
        %run_scoped3A = tpu.sem_alloc : memref<!tpu.dma_semaphore, #tpu.memory_space<semaphore_mem>>
        %dma_start3A_29 = tpu.memref_slice %arg4[%multiple_of3A_24] : memref<323584xi32, #tpu.memory_space<hbm>> -> memref<128xi32, #tpu.memory_space<hbm>>
        %dma_start3A_30 = tpu.memref_slice %arg4[%multiple_of3A_24] : memref<323584xi32, #tpu.memory_space<hbm>> -> memref<128xi32, #tpu.memory_space<hbm>>
        tpu.enqueue_dma source(%dma_start3A_30 : memref<128xi32, #tpu.memory_space<hbm>>) target(%arg11 : memref<128xi32, #tpu.memory_space<vmem>>) target_semaphore(%run_scoped3A : memref<!tpu.dma_semaphore, #tpu.memory_space<semaphore_mem>>)
        %dma_wait3A_31 = tpu.memref_slice %arg4[%multiple_of3A_24] : memref<323584xi32, #tpu.memory_space<hbm>> -> memref<128xi32, #tpu.memory_space<hbm>>
        %dma_wait3A_32 = tpu.memref_slice %arg4[%multiple_of3A_24] : memref<323584xi32, #tpu.memory_space<hbm>> -> memref<128xi32, #tpu.memory_space<hbm>>
        tpu.wait_dma2 semaphore(%run_scoped3A : memref<!tpu.dma_semaphore, #tpu.memory_space<semaphore_mem>>) src(%dma_wait3A_32 : memref<128xi32, #tpu.memory_space<hbm>>) dst(%arg11 : memref<128xi32, #tpu.memory_space<vmem>>)
        tpu.yield
      }) : () -> ()
      %dma_start3A = arith.constant 0 : i32
      %dma_start3A_25 = arith.constant 0 : i32
      %dma_start3A_26 = tpu.memref_slice %arg2[%dma_start3A, %dma_start3A_25] : memref<10000x128xf32, #tpu.memory_space<hbm>> -> memref<10000x128xf32, #tpu.memory_space<hbm>>
      tpu.enqueue_indirect_dma source(%dma_start3A_26 : memref<10000x128xf32, #tpu.memory_space<hbm>>) target(%arg12 : memref<128x128xf32, #tpu.memory_space<vmem>>) offsets(%arg10 : memref<128xi32, #tpu.memory_space<vmem>>) semaphore(%arg13 : memref<!tpu.dma_semaphore, #tpu.memory_space<semaphore_mem>>)
      %dma_wait3A = arith.constant 0 : i32
      %dma_wait3A_27 = arith.constant 0 : i32
      %dma_wait3A_28 = tpu.memref_slice %arg2[%dma_wait3A, %dma_wait3A_27] : memref<10000x128xf32, #tpu.memory_space<hbm>> -> memref<10000x128xf32, #tpu.memory_space<hbm>>
      tpu.wait_indirect_dma semaphore(%arg13 : memref<!tpu.dma_semaphore, #tpu.memory_space<semaphore_mem>>) src(%dma_wait3A_28 : memref<10000x128xf32, #tpu.memory_space<hbm>>) dst(%arg12 : memref<128x128xf32, #tpu.memory_space<vmem>>)
      "tpu.region"() ({
        %run_scoped3A = tpu.sem_alloc : memref<!tpu.dma_semaphore, #tpu.memory_space<semaphore_mem>>
        %dma_start3A_29 = arith.constant 0 : i32
        %dma_start3A_30 = arith.constant 0 : i32
        %dma_start3A_31 = tpu.memref_slice %arg9[%dma_start3A_29, %dma_start3A_30] : memref<10240x128xf32, #tpu.memory_space<vmem_shared>> -> memref<10240x128xf32, #tpu.memory_space<vmem_shared>>
        tpu.enqueue_indirect_dma source(%arg12 : memref<128x128xf32, #tpu.memory_space<vmem>>) target(%dma_start3A_31 : memref<10240x128xf32, #tpu.memory_space<vmem_shared>>) offsets(%arg11 : memref<128xi32, #tpu.memory_space<vmem>>) semaphore(%run_scoped3A : memref<!tpu.dma_semaphore, #tpu.memory_space<semaphore_mem>>) {add = true}
        %dma_wait3A_32 = arith.constant 0 : i32
        %dma_wait3A_33 = arith.constant 0 : i32
        %dma_wait3A_34 = tpu.memref_slice %arg9[%dma_wait3A_32, %dma_wait3A_33] : memref<10240x128xf32, #tpu.memory_space<vmem_shared>> -> memref<10240x128xf32, #tpu.memory_space<vmem_shared>>
        tpu.wait_indirect_dma semaphore(%run_scoped3A : memref<!tpu.dma_semaphore, #tpu.memory_space<semaphore_mem>>) src(%arg12 : memref<128x128xf32, #tpu.memory_space<vmem>>) dst(%dma_wait3A_34 : memref<10240x128xf32, #tpu.memory_space<vmem_shared>>)
        tpu.yield
      }) : () -> ()
    }
    %scan3A_9 = arith.constant 79 : i32
    %barrier3A_10 = arith.constant 0 : index
    tpu.barrier barrier_id(%barrier3A_10)
    "tpu.region"() ({
      %run_scoped3A = tpu.sem_alloc : memref<!tpu.dma_semaphore, #tpu.memory_space<semaphore_mem>>
      %dma_start3A = arith.constant 0 : i32
      %dma_start3A_20 = tpu.memref_slice %arg7[%arg0, %multiple_of3A, %dma_start3A] : memref<2x10240x128xf32, #tpu.memory_space<hbm>> -> memref<1x640x128xf32, #tpu.memory_space<hbm>>
      %dma_start3A_21 = tpu.memref_squeeze %dma_start3A_20 : memref<1x640x128xf32, #tpu.memory_space<hbm>> -> memref<640x128xf32, #tpu.memory_space<hbm>>
      %dma_start3A_22 = arith.constant 0 : i32
      %dma_start3A_23 = tpu.memref_slice %arg9[%multiple_of3A, %dma_start3A_22] : memref<10240x128xf32, #tpu.memory_space<vmem_shared>> -> memref<640x128xf32, #tpu.memory_space<vmem_shared>>
      tpu.enqueue_dma source(%dma_start3A_23 : memref<640x128xf32, #tpu.memory_space<vmem_shared>>) target(%dma_start3A_21 : memref<640x128xf32, #tpu.memory_space<hbm>>) target_semaphore(%run_scoped3A : memref<!tpu.dma_semaphore, #tpu.memory_space<semaphore_mem>>)
      %dma_wait3A = arith.constant 0 : i32
      %dma_wait3A_24 = tpu.memref_slice %arg7[%arg0, %multiple_of3A, %dma_wait3A] : memref<2x10240x128xf32, #tpu.memory_space<hbm>> -> memref<1x640x128xf32, #tpu.memory_space<hbm>>
      %dma_wait3A_25 = tpu.memref_squeeze %dma_wait3A_24 : memref<1x640x128xf32, #tpu.memory_space<hbm>> -> memref<640x128xf32, #tpu.memory_space<hbm>>
      %dma_wait3A_26 = arith.constant 0 : i32
      %dma_wait3A_27 = tpu.memref_slice %arg9[%multiple_of3A, %dma_wait3A_26] : memref<10240x128xf32, #tpu.memory_space<vmem_shared>> -> memref<640x128xf32, #tpu.memory_space<vmem_shared>>
      tpu.wait_dma2 semaphore(%run_scoped3A : memref<!tpu.dma_semaphore, #tpu.memory_space<semaphore_mem>>) src(%dma_wait3A_27 : memref<640x128xf32, #tpu.memory_space<vmem_shared>>) dst(%dma_wait3A_25 : memref<640x128xf32, #tpu.memory_space<hbm>>)
      tpu.yield
    }) : () -> ()
    %barrier3A_11 = arith.constant 0 : index
    tpu.barrier barrier_id(%barrier3A_11)
    "tpu.region"() ({
      %run_scoped3A = tpu.sem_alloc : memref<!tpu.dma_semaphore, #tpu.memory_space<semaphore_mem>>
      %dma_start3A = arith.constant 0 : i32
      %dma_start3A_20 = tpu.memref_slice %arg9[%multiple_of3A, %dma_start3A] : memref<10240x128xf32, #tpu.memory_space<vmem_shared>> -> memref<640x128xf32, #tpu.memory_space<vmem_shared>>
      %dma_start3A_21 = arith.constant 0 : i32
      %dma_start3A_22 = tpu.memref_slice %arg5[%multiple_of3A, %dma_start3A_21] : memref<10240x128xf32, #tpu.memory_space<hbm>> -> memref<640x128xf32, #tpu.memory_space<hbm>>
      tpu.enqueue_dma source(%dma_start3A_22 : memref<640x128xf32, #tpu.memory_space<hbm>>) target(%dma_start3A_20 : memref<640x128xf32, #tpu.memory_space<vmem_shared>>) target_semaphore(%run_scoped3A : memref<!tpu.dma_semaphore, #tpu.memory_space<semaphore_mem>>)
      %dma_wait3A = arith.constant 0 : i32
      %dma_wait3A_23 = tpu.memref_slice %arg9[%multiple_of3A, %dma_wait3A] : memref<10240x128xf32, #tpu.memory_space<vmem_shared>> -> memref<640x128xf32, #tpu.memory_space<vmem_shared>>
      %dma_wait3A_24 = arith.constant 0 : i32
      %dma_wait3A_25 = tpu.memref_slice %arg5[%multiple_of3A, %dma_wait3A_24] : memref<10240x128xf32, #tpu.memory_space<hbm>> -> memref<640x128xf32, #tpu.memory_space<hbm>>
      tpu.wait_dma2 semaphore(%run_scoped3A : memref<!tpu.dma_semaphore, #tpu.memory_space<semaphore_mem>>) src(%dma_wait3A_25 : memref<640x128xf32, #tpu.memory_space<hbm>>) dst(%dma_wait3A_23 : memref<640x128xf32, #tpu.memory_space<vmem_shared>>)
      tpu.yield
    }) : () -> ()
    %barrier3A_12 = arith.constant 0 : index
    tpu.barrier barrier_id(%barrier3A_12)
    "tpu.region"() ({
      %run_scoped3A = tpu.sem_alloc : memref<!tpu.dma_semaphore, #tpu.memory_space<semaphore_mem>>
      tpu.enqueue_dma source(%arg6 : memref<128x128xf32, #tpu.memory_space<hbm>>) target(%arg12 : memref<128x128xf32, #tpu.memory_space<vmem>>) target_semaphore(%run_scoped3A : memref<!tpu.dma_semaphore, #tpu.memory_space<semaphore_mem>>)
      tpu.wait_dma2 semaphore(%run_scoped3A : memref<!tpu.dma_semaphore, #tpu.memory_space<semaphore_mem>>) src(%arg6 : memref<128x128xf32, #tpu.memory_space<hbm>>) dst(%arg12 : memref<128x128xf32, #tpu.memory_space<vmem>>)
      tpu.yield
    }) : () -> ()
    %scan3A_13 = arith.constant 0 : i32
    %scan3A_14 = arith.constant 0 : i32
    %scan3A_15 = arith.constant 79 : i32
    %scan3A_16 = arith.addi %scan3A_14, %scan3A_15 : i32
    %scan3A_17 = arith.constant 1 : i32
    scf.for %scan3A_20 = %scan3A_14 to %scan3A_16 step %scan3A_17  : i32 {
      %mul3A_21 = arith.constant 128 : i32
      %mul3A_22 = arith.muli %scan3A_20, %mul3A_21 : i32
      %add3A_23 = arith.addi %mul3A_4, %mul3A_22 : i32
      %multiple_of3A_24 = tpu.assume_multiple %add3A_23, 8 : i32
      "tpu.region"() ({
        %run_scoped3A = tpu.sem_alloc : memref<!tpu.dma_semaphore, #tpu.memory_space<semaphore_mem>>
        %dma_start3A = tpu.memref_slice %arg4[%multiple_of3A_24] : memref<323584xi32, #tpu.memory_space<hbm>> -> memref<128xi32, #tpu.memory_space<hbm>>
        %dma_start3A_25 = tpu.memref_slice %arg4[%multiple_of3A_24] : memref<323584xi32, #tpu.memory_space<hbm>> -> memref<128xi32, #tpu.memory_space<hbm>>
        tpu.enqueue_dma source(%dma_start3A_25 : memref<128xi32, #tpu.memory_space<hbm>>) target(%arg11 : memref<128xi32, #tpu.memory_space<vmem>>) target_semaphore(%run_scoped3A : memref<!tpu.dma_semaphore, #tpu.memory_space<semaphore_mem>>)
        %dma_wait3A = tpu.memref_slice %arg4[%multiple_of3A_24] : memref<323584xi32, #tpu.memory_space<hbm>> -> memref<128xi32, #tpu.memory_space<hbm>>
        %dma_wait3A_26 = tpu.memref_slice %arg4[%multiple_of3A_24] : memref<323584xi32, #tpu.memory_space<hbm>> -> memref<128xi32, #tpu.memory_space<hbm>>
        tpu.wait_dma2 semaphore(%run_scoped3A : memref<!tpu.dma_semaphore, #tpu.memory_space<semaphore_mem>>) src(%dma_wait3A_26 : memref<128xi32, #tpu.memory_space<hbm>>) dst(%arg11 : memref<128xi32, #tpu.memory_space<vmem>>)
        tpu.yield
      }) : () -> ()
      "tpu.region"() ({
        %run_scoped3A = tpu.sem_alloc : memref<!tpu.dma_semaphore, #tpu.memory_space<semaphore_mem>>
        %dma_start3A = arith.constant 0 : i32
        %dma_start3A_25 = arith.constant 0 : i32
        %dma_start3A_26 = tpu.memref_slice %arg9[%dma_start3A, %dma_start3A_25] : memref<10240x128xf32, #tpu.memory_space<vmem_shared>> -> memref<10240x128xf32, #tpu.memory_space<vmem_shared>>
        tpu.enqueue_indirect_dma source(%arg12 : memref<128x128xf32, #tpu.memory_space<vmem>>) target(%dma_start3A_26 : memref<10240x128xf32, #tpu.memory_space<vmem_shared>>) offsets(%arg11 : memref<128xi32, #tpu.memory_space<vmem>>) semaphore(%run_scoped3A : memref<!tpu.dma_semaphore, #tpu.memory_space<semaphore_mem>>) {add = true}
        %dma_wait3A = arith.constant 0 : i32
        %dma_wait3A_27 = arith.constant 0 : i32
        %dma_wait3A_28 = tpu.memref_slice %arg9[%dma_wait3A, %dma_wait3A_27] : memref<10240x128xf32, #tpu.memory_space<vmem_shared>> -> memref<10240x128xf32, #tpu.memory_space<vmem_shared>>
        tpu.wait_indirect_dma semaphore(%run_scoped3A : memref<!tpu.dma_semaphore, #tpu.memory_space<semaphore_mem>>) src(%arg12 : memref<128x128xf32, #tpu.memory_space<vmem>>) dst(%dma_wait3A_28 : memref<10240x128xf32, #tpu.memory_space<vmem_shared>>)
        tpu.yield
      }) : () -> ()
    }
    %scan3A_18 = arith.constant 79 : i32
    %barrier3A_19 = arith.constant 0 : index
    tpu.barrier barrier_id(%barrier3A_19)
    "tpu.region"() ({
      %run_scoped3A = tpu.sem_alloc : memref<!tpu.dma_semaphore, #tpu.memory_space<semaphore_mem>>
      %dma_start3A = arith.constant 0 : i32
      %dma_start3A_20 = tpu.memref_slice %arg8[%arg0, %multiple_of3A, %dma_start3A] : memref<2x10240x128xf32, #tpu.memory_space<hbm>> -> memref<1x640x128xf32, #tpu.memory_space<hbm>>
      %dma_start3A_21 = tpu.memref_squeeze %dma_start3A_20 : memref<1x640x128xf32, #tpu.memory_space<hbm>> -> memref<640x128xf32, #tpu.memory_space<hbm>>
      %dma_start3A_22 = arith.constant 0 : i32
      %dma_start3A_23 = tpu.memref_slice %arg9[%multiple_of3A, %dma_start3A_22] : memref<10240x128xf32, #tpu.memory_space<vmem_shared>> -> memref<640x128xf32, #tpu.memory_space<vmem_shared>>
      tpu.enqueue_dma source(%dma_start3A_23 : memref<640x128xf32, #tpu.memory_space<vmem_shared>>) target(%dma_start3A_21 : memref<640x128xf32, #tpu.memory_space<hbm>>) target_semaphore(%run_scoped3A : memref<!tpu.dma_semaphore, #tpu.memory_space<semaphore_mem>>)
      %dma_wait3A = arith.constant 0 : i32
      %dma_wait3A_24 = tpu.memref_slice %arg8[%arg0, %multiple_of3A, %dma_wait3A] : memref<2x10240x128xf32, #tpu.memory_space<hbm>> -> memref<1x640x128xf32, #tpu.memory_space<hbm>>
      %dma_wait3A_25 = tpu.memref_squeeze %dma_wait3A_24 : memref<1x640x128xf32, #tpu.memory_space<hbm>> -> memref<640x128xf32, #tpu.memory_space<hbm>>
      %dma_wait3A_26 = arith.constant 0 : i32
      %dma_wait3A_27 = tpu.memref_slice %arg9[%multiple_of3A, %dma_wait3A_26] : memref<10240x128xf32, #tpu.memory_space<vmem_shared>> -> memref<640x128xf32, #tpu.memory_space<vmem_shared>>
      tpu.wait_dma2 semaphore(%run_scoped3A : memref<!tpu.dma_semaphore, #tpu.memory_space<semaphore_mem>>) src(%dma_wait3A_27 : memref<640x128xf32, #tpu.memory_space<vmem_shared>>) dst(%dma_wait3A_25 : memref<640x128xf32, #tpu.memory_space<hbm>>)
      tpu.yield
    }) : () -> ()
    return
  }
}

module attributes {stable_mosaic.version = 14 : i64} {
  func.func @_moe_body(%arg0: i32, %arg1: memref<2x1280x128xf32, #tpu.memory_space<vmem>>, %arg2: memref<2x1280x128xf32, #tpu.memory_space<vmem>>, %arg3: memref<128x128xf32, #tpu.memory_space<vmem>>, %arg4: memref<1x128xf32, #tpu.memory_space<vmem>>, %arg5: memref<128x64xf32, #tpu.memory_space<vmem>>, %arg6: memref<64x128x256xf32, #tpu.memory_space<vmem>>, %arg7: memref<64x256xf32, #tpu.memory_space<vmem>>, %arg8: memref<64x256x128xf32, #tpu.memory_space<vmem>>, %arg9: memref<64x128xf32, #tpu.memory_space<vmem>>, %arg10: memref<1280x128xf32, #tpu.memory_space<vmem>>, %arg11: memref<1x1x128xf32, #tpu.memory_space<vmem>>, %arg12: memref<1x1x128xf32, #tpu.memory_space<vmem>>) attributes {dimension_semantics = [#tpu.dimension_semantics<arbitrary>], iteration_bounds = array<i64: 8>, scalar_prefetch = 0 : i64, scratch_operands = 0 : i64, tpu.core_type = #tpu.core_type<tc>, window_params = [{transform_indices = @transform_0, window_bounds = array<i64: 2, 1280, 128>}, {transform_indices = @transform_1, window_bounds = array<i64: 2, 1280, 128>}, {pipeline_mode = #tpu.pipeline_mode<synchronous>, transform_indices = @transform_2, window_bounds = array<i64: 128, 128>}, {pipeline_mode = #tpu.pipeline_mode<synchronous>, transform_indices = @transform_3, window_bounds = array<i64: 1, 128>}, {pipeline_mode = #tpu.pipeline_mode<synchronous>, transform_indices = @transform_4, window_bounds = array<i64: 128, 64>}, {pipeline_mode = #tpu.pipeline_mode<synchronous>, transform_indices = @transform_5, window_bounds = array<i64: 64, 128, 256>}, {pipeline_mode = #tpu.pipeline_mode<synchronous>, transform_indices = @transform_6, window_bounds = array<i64: 64, 256>}, {pipeline_mode = #tpu.pipeline_mode<synchronous>, transform_indices = @transform_7, window_bounds = array<i64: 64, 256, 128>}, {pipeline_mode = #tpu.pipeline_mode<synchronous>, transform_indices = @transform_8, window_bounds = array<i64: 64, 128>}, {transform_indices = @transform_9, window_bounds = array<i64: 1280, 128>}, {transform_indices = @transform_10, window_bounds = array<i64: 1, 1, 128>}, {transform_indices = @transform_11, window_bounds = array<i64: 1, 1, 128>}]} {
    %iota3A = tpu.iota {dimensions = array<i32: 0>} : vector<1280x1xi32>
    %mul3A = arith.constant 1280 : i32
    %mul3A_0 = arith.muli %arg0, %mul3A : i32
    %add3A = vector.broadcast %mul3A_0 : i32 to vector<1280x1xi32>
    %add3A_1 = arith.addi %iota3A, %add3A : vector<1280x1xi32>
    %lt3A = arith.constant 10000 : i32
    %lt3A_2 = vector.broadcast %lt3A : i32 to vector<1280x1xi32>
    %lt3A_3 = arith.cmpi slt, %add3A_1, %lt3A_2 : vector<1280x1xi32>
    %get3A = arith.constant 0 : index
    %get3A_4 = arith.constant 0 : index
    %get3A_5 = arith.constant 0 : index
    %get3A_6 = vector.load %arg1[%get3A, %get3A_4, %get3A_5] : memref<2x1280x128xf32, #tpu.memory_space<vmem>>, vector<1x1280x128xf32>
    %get3A_7 = vector.shape_cast %get3A_6 : vector<1x1280x128xf32> to vector<1280x128xf32>
    %get3A_8 = arith.constant 1 : index
    %get3A_9 = arith.constant 0 : index
    %get3A_10 = arith.constant 0 : index
    %get3A_11 = vector.load %arg1[%get3A_8, %get3A_9, %get3A_10] : memref<2x1280x128xf32, #tpu.memory_space<vmem>>, vector<1x1280x128xf32>
    %get3A_12 = vector.shape_cast %get3A_11 : vector<1x1280x128xf32> to vector<1280x128xf32>
    %add3A_13 = arith.addf %get3A_7, %get3A_12 : vector<1280x128xf32>
    %jit3A = arith.constant 0.000000e+00 : f32
    %broadcast_in_dim3A = vector.shape_cast %lt3A_3 : vector<1280x1xi1> to vector<1280x1xi1>
    %broadcast_in_dim3A_14 = vector.broadcast %broadcast_in_dim3A : vector<1280x1xi1> to vector<1280x128xi1>
    %broadcast_in_dim3A_15 = vector.broadcast %jit3A : f32 to vector<1280x128xf32>
    %select_n3A = arith.select %broadcast_in_dim3A_14, %add3A_13, %broadcast_in_dim3A_15 : vector<1280x128xi1>, vector<1280x128xf32>
    %get3A_16 = arith.constant 0 : index
    %get3A_17 = arith.constant 0 : index
    %get3A_18 = arith.constant 0 : index
    %get3A_19 = vector.load %arg2[%get3A_16, %get3A_17, %get3A_18] : memref<2x1280x128xf32, #tpu.memory_space<vmem>>, vector<1x1280x1xf32>
    %get3A_20 = vector.shape_cast %get3A_19 : vector<1x1280x1xf32> to vector<1280x1xf32>
    %get3A_21 = arith.constant 1 : index
    %get3A_22 = arith.constant 0 : index
    %get3A_23 = arith.constant 0 : index
    %get3A_24 = vector.load %arg2[%get3A_21, %get3A_22, %get3A_23] : memref<2x1280x128xf32, #tpu.memory_space<vmem>>, vector<1x1280x1xf32>
    %get3A_25 = vector.shape_cast %get3A_24 : vector<1x1280x1xf32> to vector<1280x1xf32>
    %add3A_26 = arith.addf %get3A_20, %get3A_25 : vector<1280x1xf32>
    %jit3A_27 = arith.constant 1.000000e+00 : f32
    %broadcast_in_dim3A_28 = vector.broadcast %jit3A_27 : f32 to vector<1280x1xf32>
    %select_n3A_29 = arith.select %lt3A_3, %add3A_26, %broadcast_in_dim3A_28 : vector<1280x1xi1>, vector<1280x1xf32>
    %max3A = arith.constant 1.000000e+00 : f32
    %max3A_30 = vector.broadcast %max3A : f32 to vector<1280x1xf32>
    %max3A_31 = arith.maximumf %select_n3A_29, %max3A_30 : vector<1280x1xf32>
    %div3A = vector.broadcast %max3A_31 : vector<1280x1xf32> to vector<1280x128xf32>
    %div3A_32 = arith.divf %select_n3A, %div3A : vector<1280x128xf32>
    %get3A_33 = arith.constant 0 : index
    %get3A_34 = arith.constant 0 : index
    %get3A_35 = vector.load %arg3[%get3A_33, %get3A_34] : memref<128x128xf32, #tpu.memory_space<vmem>>, vector<128x128xf32>
    %dot_general3A = arith.constant dense<0.000000e+00> : vector<1280x128xf32>
    %dot_general3A_36 = tpu.matmul %div3A_32, %get3A_35, %dot_general3A {dimension_numbers = #tpu.dot_dimension_numbers<[1], [0], [0], [1], [0, 0, 1, 1], [], []>, transpose_lhs_hint = false} : vector<1280x128xf32>, vector<128x128xf32>, vector<1280x128xf32> -> vector<1280x128xf32>
    %get3A_37 = arith.constant 0 : index
    %get3A_38 = arith.constant 0 : index
    %get3A_39 = vector.load %arg4[%get3A_37, %get3A_38] : memref<1x128xf32, #tpu.memory_space<vmem>>, vector<1x128xf32>
    %add3A_40 = vector.broadcast %get3A_39 : vector<1x128xf32> to vector<1280x128xf32>
    %add3A_41 = arith.addf %dot_general3A_36, %add3A_40 : vector<1280x128xf32>
    %get3A_42 = arith.constant 0 : index
    %get3A_43 = arith.constant 0 : index
    %get3A_44 = vector.load %arg5[%get3A_42, %get3A_43] : memref<128x64xf32, #tpu.memory_space<vmem>>, vector<128x64xf32>
    %dot_general3A_45 = arith.constant dense<0.000000e+00> : vector<1280x64xf32>
    %dot_general3A_46 = tpu.matmul %add3A_41, %get3A_44, %dot_general3A_45 {dimension_numbers = #tpu.dot_dimension_numbers<[1], [0], [0], [1], [0, 0, 1, 1], [], []>, transpose_lhs_hint = false} : vector<1280x128xf32>, vector<128x64xf32>, vector<1280x64xf32> -> vector<1280x64xf32>
    %iota3A_47 = tpu.iota {dimensions = array<i32: 1>} : vector<1280x64xi32>
    %reduce_max3A = arith.constant dense<0xFF800000> : vector<1280xf32>
    %reduce_max3A_48 = vector.multi_reduction <maximumf>, %dot_general3A_46, %reduce_max3A [1] : vector<1280x64xf32> to vector<1280xf32>
    %broadcast_in_dim3A_49 = vector.shape_cast %reduce_max3A_48 : vector<1280xf32> to vector<1280x1xf32>
    %eq3A = vector.broadcast %broadcast_in_dim3A_49 : vector<1280x1xf32> to vector<1280x64xf32>
    %eq3A_50 = arith.cmpf oeq, %dot_general3A_46, %eq3A : vector<1280x64xf32>
    %jit3A_51 = arith.constant 64 : i32
    %broadcast_in_dim3A_52 = vector.broadcast %jit3A_51 : i32 to vector<1280x64xi32>
    %select_n3A_53 = arith.select %eq3A_50, %iota3A_47, %broadcast_in_dim3A_52 : vector<1280x64xi1>, vector<1280x64xi32>
    %reduce_min3A = arith.constant dense<2147483647> : vector<1280xi32>
    %reduce_min3A_54 = vector.multi_reduction <minsi>, %select_n3A_53, %reduce_min3A [1] : vector<1280x64xi32> to vector<1280xi32>
    %broadcast_in_dim3A_55 = vector.shape_cast %reduce_min3A_54 : vector<1280xi32> to vector<1280x1xi32>
    %eq3A_56 = vector.broadcast %broadcast_in_dim3A_55 : vector<1280x1xi32> to vector<1280x64xi32>
    %eq3A_57 = arith.cmpi eq, %iota3A_47, %eq3A_56 : vector<1280x64xi32>
    %jit3A_58 = arith.constant 0xFF800000 : f32
    %broadcast_in_dim3A_59 = vector.broadcast %jit3A_58 : f32 to vector<1280x64xf32>
    %select_n3A_60 = arith.select %eq3A_57, %broadcast_in_dim3A_59, %dot_general3A_46 : vector<1280x64xi1>, vector<1280x64xf32>
    %reduce_max3A_61 = arith.constant dense<0xFF800000> : vector<1280xf32>
    %reduce_max3A_62 = vector.multi_reduction <maximumf>, %select_n3A_60, %reduce_max3A_61 [1] : vector<1280x64xf32> to vector<1280xf32>
    %broadcast_in_dim3A_63 = vector.shape_cast %reduce_max3A_62 : vector<1280xf32> to vector<1280x1xf32>
    %eq3A_64 = vector.broadcast %broadcast_in_dim3A_63 : vector<1280x1xf32> to vector<1280x64xf32>
    %eq3A_65 = arith.cmpf oeq, %select_n3A_60, %eq3A_64 : vector<1280x64xf32>
    %jit3A_66 = arith.constant 64 : i32
    %broadcast_in_dim3A_67 = vector.broadcast %jit3A_66 : i32 to vector<1280x64xi32>
    %select_n3A_68 = arith.select %eq3A_65, %iota3A_47, %broadcast_in_dim3A_67 : vector<1280x64xi1>, vector<1280x64xi32>
    %reduce_min3A_69 = arith.constant dense<2147483647> : vector<1280xi32>
    %reduce_min3A_70 = vector.multi_reduction <minsi>, %select_n3A_68, %reduce_min3A_69 [1] : vector<1280x64xi32> to vector<1280xi32>
    %broadcast_in_dim3A_71 = vector.shape_cast %reduce_min3A_70 : vector<1280xi32> to vector<1280x1xi32>
    %sub3A = arith.subf %broadcast_in_dim3A_63, %broadcast_in_dim3A_49 : vector<1280x1xf32>
    %exp3A = math.exp %sub3A : vector<1280x1xf32>
    %add3A_72 = arith.constant 1.000000e+00 : f32
    %add3A_73 = vector.broadcast %add3A_72 : f32 to vector<1280x1xf32>
    %add3A_74 = arith.addf %add3A_73, %exp3A : vector<1280x1xf32>
    %div3A_75 = arith.constant 1.000000e+00 : f32
    %div3A_76 = vector.broadcast %div3A_75 : f32 to vector<1280x1xf32>
    %div3A_77 = arith.divf %div3A_76, %add3A_74 : vector<1280x1xf32>
    %sub3A_78 = arith.constant 1.000000e+00 : f32
    %sub3A_79 = vector.broadcast %sub3A_78 : f32 to vector<1280x1xf32>
    %sub3A_80 = arith.subf %sub3A_79, %div3A_77 : vector<1280x1xf32>
    %broadcast_in_dim3A_81 = arith.constant 0.000000e+00 : f32
    %broadcast_in_dim3A_82 = vector.broadcast %broadcast_in_dim3A_81 : f32 to vector<1280x128xf32>
    %scan3A = arith.constant 0 : i32
    %scan3A_83 = arith.constant 64 : i32
    %scan3A_84 = arith.addi %scan3A, %scan3A_83 : i32
    %scan3A_85 = arith.constant 1 : i32
    %scan3A_86 = scf.for %scan3A_112 = %scan3A to %scan3A_84 step %scan3A_85 iter_args(%scan3A_113 = %broadcast_in_dim3A_82) -> (vector<1280x128xf32>)  : i32 {
      %get3A_114 = arith.index_cast %scan3A_112 : i32 to index
      %get3A_115 = arith.constant 0 : index
      %get3A_116 = arith.constant 0 : index
      %get3A_117 = vector.load %arg6[%get3A_114, %get3A_115, %get3A_116] : memref<64x128x256xf32, #tpu.memory_space<vmem>>, vector<1x128x256xf32>
      %get3A_118 = vector.shape_cast %get3A_117 : vector<1x128x256xf32> to vector<128x256xf32>
      %dot_general3A_119 = arith.constant dense<0.000000e+00> : vector<1280x256xf32>
      %dot_general3A_120 = tpu.matmul %add3A_41, %get3A_118, %dot_general3A_119 {dimension_numbers = #tpu.dot_dimension_numbers<[1], [0], [0], [1], [0, 0, 1, 1], [], []>, transpose_lhs_hint = false} : vector<1280x128xf32>, vector<128x256xf32>, vector<1280x256xf32> -> vector<1280x256xf32>
      %get3A_121 = arith.index_cast %scan3A_112 : i32 to index
      %get3A_122 = arith.constant 0 : index
      %get3A_123 = vector.load %arg7[%get3A_121, %get3A_122] : memref<64x256xf32, #tpu.memory_space<vmem>>, vector<1x256xf32>
      %get3A_124 = vector.shape_cast %get3A_123 : vector<1x256xf32> to vector<256xf32>
      %broadcast_in_dim3A_125 = vector.shape_cast %get3A_124 : vector<256xf32> to vector<1x256xf32>
      %add3A_126 = vector.broadcast %broadcast_in_dim3A_125 : vector<1x256xf32> to vector<1280x256xf32>
      %add3A_127 = arith.addf %dot_general3A_120, %add3A_126 : vector<1280x256xf32>
      %mul3A_128 = arith.constant 5.000000e-01 : f32
      %mul3A_129 = vector.broadcast %mul3A_128 : f32 to vector<1280x256xf32>
      %mul3A_130 = arith.mulf %mul3A_129, %add3A_127 : vector<1280x256xf32>
      %div3A_131 = arith.constant 1.41421354 : f32
      %div3A_132 = vector.broadcast %div3A_131 : f32 to vector<1280x256xf32>
      %div3A_133 = arith.divf %add3A_127, %div3A_132 : vector<1280x256xf32>
      %erf3A = math.erf %div3A_133 : vector<1280x256xf32>
      %add3A_134 = arith.constant 1.000000e+00 : f32
      %add3A_135 = vector.broadcast %add3A_134 : f32 to vector<1280x256xf32>
      %add3A_136 = arith.addf %add3A_135, %erf3A : vector<1280x256xf32>
      %mul3A_137 = arith.mulf %mul3A_130, %add3A_136 : vector<1280x256xf32>
      %get3A_138 = arith.index_cast %scan3A_112 : i32 to index
      %get3A_139 = arith.constant 0 : index
      %get3A_140 = arith.constant 0 : index
      %get3A_141 = vector.load %arg8[%get3A_138, %get3A_139, %get3A_140] : memref<64x256x128xf32, #tpu.memory_space<vmem>>, vector<1x256x128xf32>
      %get3A_142 = vector.shape_cast %get3A_141 : vector<1x256x128xf32> to vector<256x128xf32>
      %dot_general3A_143 = arith.constant dense<0.000000e+00> : vector<1280x128xf32>
      %dot_general3A_144 = tpu.matmul %mul3A_137, %get3A_142, %dot_general3A_143 {dimension_numbers = #tpu.dot_dimension_numbers<[1], [0], [0], [1], [0, 0, 1, 1], [], []>, transpose_lhs_hint = false} : vector<1280x256xf32>, vector<256x128xf32>, vector<1280x128xf32> -> vector<1280x128xf32>
      %get3A_145 = arith.index_cast %scan3A_112 : i32 to index
      %get3A_146 = arith.constant 0 : index
      %get3A_147 = vector.load %arg9[%get3A_145, %get3A_146] : memref<64x128xf32, #tpu.memory_space<vmem>>, vector<1x128xf32>
      %get3A_148 = vector.shape_cast %get3A_147 : vector<1x128xf32> to vector<128xf32>
      %broadcast_in_dim3A_149 = vector.shape_cast %get3A_148 : vector<128xf32> to vector<1x128xf32>
      %add3A_150 = vector.broadcast %broadcast_in_dim3A_149 : vector<1x128xf32> to vector<1280x128xf32>
      %add3A_151 = arith.addf %dot_general3A_144, %add3A_150 : vector<1280x128xf32>
      %eq3A_152 = vector.broadcast %scan3A_112 : i32 to vector<1280x1xi32>
      %eq3A_153 = arith.cmpi eq, %broadcast_in_dim3A_55, %eq3A_152 : vector<1280x1xi32>
      %jit3A_154 = arith.constant 0.000000e+00 : f32
      %broadcast_in_dim3A_155 = vector.broadcast %jit3A_154 : f32 to vector<1280x1xf32>
      %select_n3A_156 = arith.select %eq3A_153, %div3A_77, %broadcast_in_dim3A_155 : vector<1280x1xi1>, vector<1280x1xf32>
      %eq3A_157 = vector.broadcast %scan3A_112 : i32 to vector<1280x1xi32>
      %eq3A_158 = arith.cmpi eq, %broadcast_in_dim3A_71, %eq3A_157 : vector<1280x1xi32>
      %jit3A_159 = arith.constant 0.000000e+00 : f32
      %broadcast_in_dim3A_160 = vector.broadcast %jit3A_159 : f32 to vector<1280x1xf32>
      %select_n3A_161 = arith.select %eq3A_158, %sub3A_80, %broadcast_in_dim3A_160 : vector<1280x1xi1>, vector<1280x1xf32>
      %add3A_162 = arith.addf %select_n3A_156, %select_n3A_161 : vector<1280x1xf32>
      %mul3A_163 = vector.broadcast %add3A_162 : vector<1280x1xf32> to vector<1280x128xf32>
      %mul3A_164 = arith.mulf %add3A_151, %mul3A_163 : vector<1280x128xf32>
      %add3A_165 = arith.addf %scan3A_113, %mul3A_164 : vector<1280x128xf32>
      scf.yield %add3A_165 : vector<1280x128xf32>
    }
    %scan3A_87 = arith.constant 64 : i32
    %add3A_88 = arith.addf %add3A_41, %scan3A_86 : vector<1280x128xf32>
    %jit3A_89 = arith.constant 0.000000e+00 : f32
    %broadcast_in_dim3A_90 = vector.shape_cast %lt3A_3 : vector<1280x1xi1> to vector<1280x1xi1>
    %broadcast_in_dim3A_91 = vector.broadcast %broadcast_in_dim3A_90 : vector<1280x1xi1> to vector<1280x128xi1>
    %broadcast_in_dim3A_92 = vector.broadcast %jit3A_89 : f32 to vector<1280x128xf32>
    %select_n3A_93 = arith.select %broadcast_in_dim3A_91, %add3A_88, %broadcast_in_dim3A_92 : vector<1280x128xi1>, vector<1280x128xf32>
    %swap3A = arith.constant 0 : index
    %swap3A_94 = arith.constant 0 : index
    %swap3A_95 = vector.load %arg10[%swap3A, %swap3A_94] : memref<1280x128xf32, #tpu.memory_space<vmem>>, vector<1280x128xf32>
    tpu.vector_store %arg10[%swap3A, %swap3A_94], %select_n3A_93 {strides = array<i32>} : memref<1280x128xf32, #tpu.memory_space<vmem>>, vector<1280x128xf32>,
    %reduce_sum3A = arith.constant dense<0.000000e+00> : vector<128xf32>
    %reduce_sum3A_96 = vector.multi_reduction <add>, %select_n3A_93, %reduce_sum3A [0] : vector<1280x128xf32> to vector<128xf32>
    %broadcast_in_dim3A_97 = vector.shape_cast %reduce_sum3A_96 : vector<128xf32> to vector<1x128xf32>
    %broadcast_in_dim3A_98 = vector.shape_cast %broadcast_in_dim3A_97 : vector<1x128xf32> to vector<1x1x128xf32>
    %swap3A_99 = arith.constant 0 : index
    %swap3A_100 = arith.constant 0 : index
    %swap3A_101 = arith.constant 0 : index
    %swap3A_102 = vector.load %arg11[%swap3A_99, %swap3A_100, %swap3A_101] : memref<1x1x128xf32, #tpu.memory_space<vmem>>, vector<1x1x128xf32>
    tpu.vector_store %arg11[%swap3A_99, %swap3A_100, %swap3A_101], %broadcast_in_dim3A_98 {strides = array<i32>} : memref<1x1x128xf32, #tpu.memory_space<vmem>>, vector<1x1x128xf32>,
    %mul3A_103 = arith.mulf %select_n3A_93, %select_n3A_93 : vector<1280x128xf32>
    %reduce_sum3A_104 = arith.constant dense<0.000000e+00> : vector<128xf32>
    %reduce_sum3A_105 = vector.multi_reduction <add>, %mul3A_103, %reduce_sum3A_104 [0] : vector<1280x128xf32> to vector<128xf32>
    %broadcast_in_dim3A_106 = vector.shape_cast %reduce_sum3A_105 : vector<128xf32> to vector<1x128xf32>
    %broadcast_in_dim3A_107 = vector.shape_cast %broadcast_in_dim3A_106 : vector<1x128xf32> to vector<1x1x128xf32>
    %swap3A_108 = arith.constant 0 : index
    %swap3A_109 = arith.constant 0 : index
    %swap3A_110 = arith.constant 0 : index
    %swap3A_111 = vector.load %arg12[%swap3A_108, %swap3A_109, %swap3A_110] : memref<1x1x128xf32, #tpu.memory_space<vmem>>, vector<1x1x128xf32>
    tpu.vector_store %arg12[%swap3A_108, %swap3A_109, %swap3A_110], %broadcast_in_dim3A_107 {strides = array<i32>} : memref<1x1x128xf32, #tpu.memory_space<vmem>>, vector<1x1x128xf32>,
    return
  }
  func.func @transform_0(%arg0: i32) -> (i32, i32, i32) {
    %c0_i32 = arith.constant 0 : i32
    %c0_i32_0 = arith.constant 0 : i32
    %c0_i32_1 = arith.constant 0 : i32
    return %c0_i32, %arg0, %c0_i32_0 : i32, i32, i32
  }
  func.func @transform_1(%arg0: i32) -> (i32, i32, i32) {
    %c0_i32 = arith.constant 0 : i32
    %c0_i32_0 = arith.constant 0 : i32
    %c0_i32_1 = arith.constant 0 : i32
    return %c0_i32, %arg0, %c0_i32_0 : i32, i32, i32
  }
  func.func @transform_2(%arg0: i32) -> (i32, i32) {
    %c0_i32 = arith.constant 0 : i32
    %c0_i32_0 = arith.constant 0 : i32
    %c0_i32_1 = arith.constant 0 : i32
    return %c0_i32, %c0_i32_0 : i32, i32
  }
  func.func @transform_3(%arg0: i32) -> (i32, i32) {
    %c0_i32 = arith.constant 0 : i32
    %c0_i32_0 = arith.constant 0 : i32
    %c0_i32_1 = arith.constant 0 : i32
    return %c0_i32, %c0_i32_0 : i32, i32
  }
  func.func @transform_4(%arg0: i32) -> (i32, i32) {
    %c0_i32 = arith.constant 0 : i32
    %c0_i32_0 = arith.constant 0 : i32
    %c0_i32_1 = arith.constant 0 : i32
    return %c0_i32, %c0_i32_0 : i32, i32
  }
  func.func @transform_5(%arg0: i32) -> (i32, i32, i32) {
    %c0_i32 = arith.constant 0 : i32
    %c0_i32_0 = arith.constant 0 : i32
    %c0_i32_1 = arith.constant 0 : i32
    %c0_i32_2 = arith.constant 0 : i32
    return %c0_i32, %c0_i32_0, %c0_i32_1 : i32, i32, i32
  }
  func.func @transform_6(%arg0: i32) -> (i32, i32) {
    %c0_i32 = arith.constant 0 : i32
    %c0_i32_0 = arith.constant 0 : i32
    %c0_i32_1 = arith.constant 0 : i32
    return %c0_i32, %c0_i32_0 : i32, i32
  }
  func.func @transform_7(%arg0: i32) -> (i32, i32, i32) {
    %c0_i32 = arith.constant 0 : i32
    %c0_i32_0 = arith.constant 0 : i32
    %c0_i32_1 = arith.constant 0 : i32
    %c0_i32_2 = arith.constant 0 : i32
    return %c0_i32, %c0_i32_0, %c0_i32_1 : i32, i32, i32
  }
  func.func @transform_8(%arg0: i32) -> (i32, i32) {
    %c0_i32 = arith.constant 0 : i32
    %c0_i32_0 = arith.constant 0 : i32
    %c0_i32_1 = arith.constant 0 : i32
    return %c0_i32, %c0_i32_0 : i32, i32
  }
  func.func @transform_9(%arg0: i32) -> (i32, i32) {
    %c0_i32 = arith.constant 0 : i32
    %c0_i32_0 = arith.constant 0 : i32
    return %arg0, %c0_i32 : i32, i32
  }
  func.func @transform_10(%arg0: i32) -> (i32, i32, i32) {
    %c0_i32 = arith.constant 0 : i32
    %c0_i32_0 = arith.constant 0 : i32
    %c0_i32_1 = arith.constant 0 : i32
    return %arg0, %c0_i32, %c0_i32_0 : i32, i32, i32
  }
  func.func @transform_11(%arg0: i32) -> (i32, i32, i32) {
    %c0_i32 = arith.constant 0 : i32
    %c0_i32_0 = arith.constant 0 : i32
    %c0_i32_1 = arith.constant 0 : i32
    return %arg0, %c0_i32, %c0_i32_0 : i32, i32, i32
  }
}

module attributes {stable_mosaic.version = 14 : i64} {
  func.func @_bn_body(%arg0: i32, %arg1: memref<1280x128xf32, #tpu.memory_space<vmem>>, %arg2: memref<8x1x128xf32, #tpu.memory_space<vmem>>, %arg3: memref<8x1x128xf32, #tpu.memory_space<vmem>>, %arg4: memref<1x128xf32, #tpu.memory_space<vmem>>, %arg5: memref<1x128xf32, #tpu.memory_space<vmem>>, %arg6: memref<1280x128xf32, #tpu.memory_space<vmem>>) attributes {dimension_semantics = [#tpu.dimension_semantics<arbitrary>], iteration_bounds = array<i64: 8>, scalar_prefetch = 0 : i64, scratch_operands = 0 : i64, tpu.core_type = #tpu.core_type<tc>, window_params = [{transform_indices = @transform_0, window_bounds = array<i64: 1280, 128>}, {pipeline_mode = #tpu.pipeline_mode<synchronous>, transform_indices = @transform_1, window_bounds = array<i64: 8, 1, 128>}, {pipeline_mode = #tpu.pipeline_mode<synchronous>, transform_indices = @transform_2, window_bounds = array<i64: 8, 1, 128>}, {pipeline_mode = #tpu.pipeline_mode<synchronous>, transform_indices = @transform_3, window_bounds = array<i64: 1, 128>}, {pipeline_mode = #tpu.pipeline_mode<synchronous>, transform_indices = @transform_4, window_bounds = array<i64: 1, 128>}, {transform_indices = @transform_5, window_bounds = array<i64: 1280, 128>}]} {
    %get3A = arith.constant 0 : index
    %get3A_0 = arith.constant 0 : index
    %get3A_1 = arith.constant 0 : index
    %get3A_2 = vector.load %arg2[%get3A, %get3A_0, %get3A_1] : memref<8x1x128xf32, #tpu.memory_space<vmem>>, vector<8x1x128xf32>
    %get3A_3 = vector.shape_cast %get3A_2 : vector<8x1x128xf32> to vector<8x128xf32>
    %reduce_sum3A = arith.constant dense<0.000000e+00> : vector<128xf32>
    %reduce_sum3A_4 = vector.multi_reduction <add>, %get3A_3, %reduce_sum3A [0] : vector<8x128xf32> to vector<128xf32>
    %broadcast_in_dim3A = vector.shape_cast %reduce_sum3A_4 : vector<128xf32> to vector<1x128xf32>
    %div3A = arith.constant 1.000000e+04 : f32
    %div3A_5 = vector.broadcast %div3A : f32 to vector<1x128xf32>
    %div3A_6 = arith.divf %broadcast_in_dim3A, %div3A_5 : vector<1x128xf32>
    %get3A_7 = arith.constant 0 : index
    %get3A_8 = arith.constant 0 : index
    %get3A_9 = arith.constant 0 : index
    %get3A_10 = vector.load %arg3[%get3A_7, %get3A_8, %get3A_9] : memref<8x1x128xf32, #tpu.memory_space<vmem>>, vector<8x1x128xf32>
    %get3A_11 = vector.shape_cast %get3A_10 : vector<8x1x128xf32> to vector<8x128xf32>
    %reduce_sum3A_12 = arith.constant dense<0.000000e+00> : vector<128xf32>
    %reduce_sum3A_13 = vector.multi_reduction <add>, %get3A_11, %reduce_sum3A_12 [0] : vector<8x128xf32> to vector<128xf32>
    %broadcast_in_dim3A_14 = vector.shape_cast %reduce_sum3A_13 : vector<128xf32> to vector<1x128xf32>
    %div3A_15 = arith.constant 1.000000e+04 : f32
    %div3A_16 = vector.broadcast %div3A_15 : f32 to vector<1x128xf32>
    %div3A_17 = arith.divf %broadcast_in_dim3A_14, %div3A_16 : vector<1x128xf32>
    %mul3A = arith.mulf %div3A_6, %div3A_6 : vector<1x128xf32>
    %sub3A = arith.subf %div3A_17, %mul3A : vector<1x128xf32>
    %get3A_18 = arith.constant 0 : index
    %get3A_19 = arith.constant 0 : index
    %get3A_20 = vector.load %arg1[%get3A_18, %get3A_19] : memref<1280x128xf32, #tpu.memory_space<vmem>>, vector<1280x128xf32>
    %sub3A_21 = vector.broadcast %div3A_6 : vector<1x128xf32> to vector<1280x128xf32>
    %sub3A_22 = arith.subf %get3A_20, %sub3A_21 : vector<1280x128xf32>
    %add3A = arith.constant 9.99999974E-6 : f32
    %add3A_23 = vector.broadcast %add3A : f32 to vector<1x128xf32>
    %add3A_24 = arith.addf %sub3A, %add3A_23 : vector<1x128xf32>
    %rsqrt3A = math.rsqrt %add3A_24 : vector<1x128xf32>
    %mul3A_25 = vector.broadcast %rsqrt3A : vector<1x128xf32> to vector<1280x128xf32>
    %mul3A_26 = arith.mulf %sub3A_22, %mul3A_25 : vector<1280x128xf32>
    %get3A_27 = arith.constant 0 : index
    %get3A_28 = arith.constant 0 : index
    %get3A_29 = vector.load %arg4[%get3A_27, %get3A_28] : memref<1x128xf32, #tpu.memory_space<vmem>>, vector<1x128xf32>
    %mul3A_30 = vector.broadcast %get3A_29 : vector<1x128xf32> to vector<1280x128xf32>
    %mul3A_31 = arith.mulf %mul3A_26, %mul3A_30 : vector<1280x128xf32>
    %get3A_32 = arith.constant 0 : index
    %get3A_33 = arith.constant 0 : index
    %get3A_34 = vector.load %arg5[%get3A_32, %get3A_33] : memref<1x128xf32, #tpu.memory_space<vmem>>, vector<1x128xf32>
    %add3A_35 = vector.broadcast %get3A_34 : vector<1x128xf32> to vector<1280x128xf32>
    %add3A_36 = arith.addf %mul3A_31, %add3A_35 : vector<1280x128xf32>
    %swap3A = arith.constant 0 : index
    %swap3A_37 = arith.constant 0 : index
    %swap3A_38 = vector.load %arg6[%swap3A, %swap3A_37] : memref<1280x128xf32, #tpu.memory_space<vmem>>, vector<1280x128xf32>
    tpu.vector_store %arg6[%swap3A, %swap3A_37], %add3A_36 {strides = array<i32>} : memref<1280x128xf32, #tpu.memory_space<vmem>>, vector<1280x128xf32>,
    return
  }
  func.func @transform_0(%arg0: i32) -> (i32, i32) {
    %c0_i32 = arith.constant 0 : i32
    %c0_i32_0 = arith.constant 0 : i32
    return %arg0, %c0_i32 : i32, i32
  }
  func.func @transform_1(%arg0: i32) -> (i32, i32, i32) {
    %c0_i32 = arith.constant 0 : i32
    %c0_i32_0 = arith.constant 0 : i32
    %c0_i32_1 = arith.constant 0 : i32
    %c0_i32_2 = arith.constant 0 : i32
    return %c0_i32, %c0_i32_0, %c0_i32_1 : i32, i32, i32
  }
  func.func @transform_2(%arg0: i32) -> (i32, i32, i32) {
    %c0_i32 = arith.constant 0 : i32
    %c0_i32_0 = arith.constant 0 : i32
    %c0_i32_1 = arith.constant 0 : i32
    %c0_i32_2 = arith.constant 0 : i32
    return %c0_i32, %c0_i32_0, %c0_i32_1 : i32, i32, i32
  }
  func.func @transform_3(%arg0: i32) -> (i32, i32) {
    %c0_i32 = arith.constant 0 : i32
    %c0_i32_0 = arith.constant 0 : i32
    %c0_i32_1 = arith.constant 0 : i32
    return %c0_i32, %c0_i32_0 : i32, i32
  }
  func.func @transform_4(%arg0: i32) -> (i32, i32) {
    %c0_i32 = arith.constant 0 : i32
    %c0_i32_0 = arith.constant 0 : i32
    %c0_i32_1 = arith.constant 0 : i32
    return %c0_i32, %c0_i32_0 : i32, i32
  }
  func.func @transform_5(%arg0: i32) -> (i32, i32) {
    %c0_i32 = arith.constant 0 : i32
    %c0_i32_0 = arith.constant 0 : i32
    return %arg0, %c0_i32 : i32, i32
  }
}

</mosaic_0001>

<sc_bundles>
// kernel: kernel.5.cloned.1.call-start
scs
__scs_entry_jumppad:
0x0: {  	(pc) =	sbr.rel $0x88, $3  }
0x1: {  	(tag) =	ssettag $0x0;
	lr =	simm.s32 $0x1  }
0x2: {  	[smem:$0x3F96] =	sst lr;
	_ =	strace $0xD0000000  }
0x3: {  	_ = 	snop  }
0x4: {  	_ = 	snop  }
0x5: {  	_ = 	snop  }
0x6: {  	_ = 	snop  }
0x7: {  	_ = 	snop  }
__scs_overlays_trampoline_lowered:
0x8: {  	[smem:$0x3FA5] =	sst s0  }
0x9: {  	[smem:$0x3FA6] =	sst s1  }
0xa: {  	[smem:$0x3FA7] =	sst s2  }
0xb: {  	[smem:$0x3FA8] =	sst s3  }
0xc: {  	[smem:$0x3FA9] =	sst s4  }
0xd: {  	[smem:$0x3FAA] =	sst s5  }
0xe: {  	[smem:$0x3FAB] =	sst s6  }
0xf: {  	[smem:$0x3FAC] =	sst s7  }
0x10: {  	[smem:$0x3FAD] =	sst s8  }
0x11: {  	[smem:$0x3FAE] =	sst s9;
	s0 =	simm.s32 @!p0 $0x0  }
0x12: {  	s1 =	sld [smem:$0x3F94];
	s0 =	simm.s32 @p0 $0x1  }
0x13: {  	[smem:$0x3FAF] =	sst s0;
	s0 =	simm.s32 @!p1 $0x0  }
0x14: {  	s2 =	sld [smem:$0x3F93];
	s0 =	simm.s32 @p1 $0x1  }
0x15: {  	[smem:$0x3FB0] =	sst s0;
	s0 =	simm.s32 @!p2 $0x0  }
0x16: {  	s3 =	sld [smem:$0x3FDB];
	s0 =	simm.s32 @p2 $0x1  }
0x17: {  	s4 =	simm.s32 $0x1BF5;
	[smem:$0x3FB2] =	sst s0  }
0x18: {  	s0 =	sld [smem:$0x3F95];
	_ =	swait.ge [sflag:s4], $0x0  }
0x19: {  	s7 =	sld [smem:$0x3F96]  }
0x1a: {  	s8 =	sadd.s32 $0xFFFFE003, lr  }
0x1b: {  	s9 =	sadd.s32 $0xFFFFFEF7, lr;
	s5 =	simm.s32 $0xFFFFFFFF;
	p2 =	slt.u32 s8, $0xFFFFF086  }
0x1c: {  	p1 =	slt.u32 s9, $0xF7A;
	s5 =	simm.s32 @!p2 $0x0  }
0x1d: {  	s5 =	simm.s32 @p1 $0x1;
	p0 =	seq.s32 s7, s2  }
0x1e: {  	s7 =	smul.u32 @!p0 $0xF7A, s2;
	p2 =	seq.s32 @!p0 s5, $0x0  }
0x1f: {  	s9 =	smul.u32 $0xF7A, s1;
	s8 =	simm.s32 @!p0 $0x1BF5;
	p2 =	por !p2, p0  }
0x20: {  	[sflag:s8] =	ssyncset.s32 @!p0 $0xFFFFF086;
	s6 =	sadd.s32 @!p0 s3, s7;
	s7 =	simm.s32 @!p0 $0x108  }
0x21: {  	s3 =	sadd.s32 s3, s9;
	s6 =	sadd.s32 @!p0 $0x88, s6;
	s7 =	simm.s32 @p2 $0x1082  }
0x22: {  	[simem:s7], [sflag:s8] =	dma.local @!p0 [hbm:s6], $0xF7A  }
0x23: {  	s9 =	sor.u32 $0xD0000000, s2;
	s6 =	simm.s32 $0x108;
	_ =	swait.ge @!p0 [sflag:s8], $0x0  }
0x24: {  	s3 =	sadd.s32 $0x88, s3;
	s6 =	simm.s32 @!p1 $0x1082;
	[sflag:s4] =	ssyncset.s32 $0xFFFFF086  }
0x25: {  	[simem:s6], [sflag:s4] =	dma.local [hbm:s3], $0xF7A  }
0x26: {  	[smem:$0x3F96] =	sst s1;
	(tag) =	ssettag s2;
	_ =	strace s9  }
0x27: {  	s1 =	sld [smem:$0x3FA6]  }
0x28: {  	s2 =	sld [smem:$0x3FA7]  }
0x29: {  	s4 =	sld [smem:$0x3FA9]  }
0x2a: {  	p0 =	seq.s32 s5, $0x0;
	s5 =	sld [smem:$0x3FAA]  }
0x2b: {  	s6 =	sld [smem:$0x3FAB]  }
0x2c: {  	s7 =	sld [smem:$0x3FAC]  }
0x2d: {  	s3 =	simm.s32 $0x108;
	s8 =	sld [smem:$0x3FAD]  }
0x2e: {  	s3 =	simm.s32 @!p0 $0x1082;
	s9 =	sld [smem:$0x3FAE]  }
0x2f: {  	lr =	sadd.s32 s0, s3;
	s0 =	sld [smem:$0x3FA5]  }
0x30: {  	s3 =	sld [smem:$0x3FA8]  }
0x31: {  	[smem:$0x3FB1] =	sst s10  }
0x32: {  	s10 =	sld [smem:$0x3FAF];
	_ =	sdelay $0x3  }
0x33: {  	p0 =	seq.s32 s10, $0x1;
	s10 =	sld [smem:$0x3FB1];
	_ =	sdelay $0x3  }
0x34: {  	[smem:$0x3FB1] =	sst s10  }
0x35: {  	s10 =	sld [smem:$0x3FB0];
	_ =	sdelay $0x3  }
0x36: {  	p1 =	seq.s32 s10, $0x1;
	s10 =	sld [smem:$0x3FB1];
	_ =	sdelay $0x3  }
0x37: {  	[smem:$0x3FB1] =	sst s10  }
0x38: {  	s10 =	sld [smem:$0x3FB2]  }
0x39: {  	_ = 	snop;
	(pc) =	sbr.ind lr, $3  }
0x3a: {  	_ = 	snop  }
0x3b: {  	_ = 	snop  }
0x3c: {  	p2 =	seq.s32 s10, $0x1;
	s10 =	sld [smem:$0x3FB1]  }
0x3d: {  	_ =	shalt  }
0x3e: {  	_ =	shalt  }
0x3f: {  	_ =	shalt  }
0x40: {  	_ =	shalt  }
0x41: {  	_ =	shalt  }
0x42: {  	_ =	shalt  }
0x43: {  	_ =	shalt  }
0x44: {  	_ =	shalt  }
0x45: {  	_ =	shalt  }
0x46: {  	_ =	shalt  }
0x47: {  	_ =	shalt  }
0x48: {  	_ =	shalt  }
0x49: {  	_ =	shalt  }
0x4a: {  	_ =	shalt  }
0x4b: {  	_ =	shalt  }
0x4c: {  	_ =	shalt  }
0x4d: {  	_ =	shalt  }
0x4e: {  	_ =	shalt  }
0x4f: {  	_ =	shalt  }
0x50: {  	_ =	shalt  }
0x51: {  	_ =	shalt  }
0x52: {  	_ =	shalt  }
0x53: {  	_ =	shalt  }
0x54: {  	_ =	shalt  }
0x55: {  	_ =	shalt  }
0x56: {  	_ =	shalt  }
0x57: {  	_ =	shalt  }
0x58: {  	_ =	shalt  }
0x59: {  	_ =	shalt  }
0x5a: {  	_ =	shalt  }
0x5b: {  	_ =	shalt  }
0x5c: {  	_ =	shalt  }
0x5d: {  	_ =	shalt  }
0x5e: {  	_ =	shalt  }
0x5f: {  	_ =	shalt  }
0x60: {  	_ =	shalt  }
0x61: {  	_ =	shalt  }
0x62: {  	_ =	shalt  }
0x63: {  	_ =	shalt  }
0x64: {  	_ =	shalt  }
0x65: {  	_ =	shalt  }
0x66: {  	_ =	shalt  }
0x67: {  	_ =	shalt  }
0x68: {  	_ =	shalt  }
0x69: {  	_ =	shalt  }
0x6a: {  	_ =	shalt  }
0x6b: {  	_ =	shalt  }
0x6c: {  	_ =	shalt  }
0x6d: {  	_ =	shalt  }
0x6e: {  	_ =	shalt  }
0x6f: {  	_ =	shalt  }
0x70: {  	_ =	shalt  }
0x71: {  	_ =	shalt  }
0x72: {  	_ =	shalt  }
0x73: {  	_ =	shalt  }
0x74: {  	_ =	shalt  }
0x75: {  	_ =	shalt  }
0x76: {  	_ =	shalt  }
0x77: {  	_ =	shalt  }
0x78: {  	_ =	shalt  }
0x79: {  	_ =	shalt  }
0x7a: {  	_ =	shalt  }
0x7b: {  	_ =	shalt  }
0x7c: {  	_ =	shalt  }
0x7d: {  	_ =	shalt  }
0x7e: {  	_ =	shalt  }
0x7f: {  	_ =	shalt  }
0x80: {  	_ =	shalt  }
0x81: {  	_ =	shalt  }
0x82: {  	_ =	shalt  }
0x83: {  	_ =	shalt  }
0x84: {  	_ =	shalt  }
0x85: {  	_ =	shalt  }
0x86: {  	_ =	shalt  }
0x87: {  	_ =	shalt  }
.Lfunc_end0:
.L_simem_size_0:
called_computation_lowered:
.L_overlay_start_0:
0x88: {  	s2 =	sld [smem:$0x3FD9]  }
0x89: {  	s3 =	sld [smem:$0x3FFE];
	_ =	sdelay $0x1  }
0x8a: {  	s1 =	srdreg.scid  }
0x8b: {  	s0 =	sand.u32 $0x1, s1  }
0x8c: {  	s17 =	sshll.u32 s0, $0xA;
	s2 =	sadd.s32 s3, s2  }
0x8d: {  	s2 =	sadd.s32 s2, s17  }
0x8e: {  	[smem:$0x3FBD] =	sst s2  }
0x8f: {  	_ = 	snop  }
0x90: {  	s2 =	sld [smem:$0x3FC9]  }
0x91: {  	s18 =	sld [smem:$0x3FD0];
	(tm) =	ssettm $0x1  }
0x92: {  	s4 =	sld [smem:$0x3FFB];
	_ =	sdelay $0x3  }
0x93: {  	_ =	strace s4  }
0x94: {  	s4 =	sld [smem:$0x3FFC];
	_ =	sdelay $0x3  }
0x95: {  	_ =	strace s4  }
0x96: {  	s4 =	sld [smem:$0x3FFD];
	_ =	sdelay $0x3  }
0x97: {  	_ =	strace s4  }
0x98: {  	_ =	strace $0x8FFFFFFF  }
0x99: {  	s19 =	sld [smem:$0x3FDB];
	_ =	sdelay $0x1  }
0x9a: {  	s5 =	simm.s32 $_scs_section_size  }
0x9b: {  	s6 =	simm.s32 $_size__tile_overlayer_lowered;
	s7 =	simm.s32 $_tile_overlayer_lowered  }
0x9c: {  	s22 =	simm.s32 $0x1BFF;
	s21 =	sshll.u32 s7, $0x1;
	s4 =	sadd.s32 s5, s19  }
0x9d: {  	s8 =	simm.s32 $0x0;
	s20 =	sshll.u32 s6, $0x1;
	s6 =	sadd.s32 s21, s4  }
0x9e: {  	[timem:s8], [sflag:s22] =	dma.local [hbm:s6], s20  }
0x9f: {  	_ =	swait.ge [sflag:s22], s20  }
0xa0: {  	s5 =	ssub.s32 $0x0, s20;
	[sflag:s22] =	ssyncset.done $0x0  }
0xa1: {  	[sflag:s22] =	ssyncadd.s32 s5;
	_ =	sdelay $0x1  }
0xa2: {  	s23 =	simm.s32 $0x1B8B  }
0xa3: {  	_ =	swait.ge [sflag:s23], $0x1  }
0xa4: {  	[sflag:s23] =	ssyncset.done $0x0  }
0xa5: {  	s25 =	simm.s32 $0x1B8E;
	s24 =	sld [smem:$0x3FFE];
	[sflag:s23] =	ssyncadd.s32 $0xFFFFFFFF  }
0xa6: {  	s26 =	simm.s32 $execute0_lowered;
	[smem:$0x3FD2] =	sst s25  }
0xa7: {  	s6 =	sshll.u32 s26, $0x1;
	_ =	strace $0x80000046;
	[dreg:$0x1] =	wrdreg $0xFFFFFFFF  }
0xa8: {  	s28 =	simm.s32 $_size_execute0_lowered;
	s4 =	sadd.s32 s4, s6;
	[dreg:$0x0] =	wrdreg $0x0  }
0xa9: {  	s6 =	sshll.u32 s28, $0x1;
	[dreg:$0x2] =	wrdreg s4  }
0xaa: {  	[dreg:$0x3] =	wrdreg s6  }
0xab: {  	[dreg:$0x4] =	wrdreg $0xC0  }
0xac: {  	_ =	task [dreg:s8], $0x5FFFF  }
0xad: {  	[dreg:$0x1] =	wrdreg $0xFFFFFFFF  }
0xae: {  	[dreg:$0x0] =	wrdreg $0x60  }
0xaf: {  	[dreg:$0x2] =	wrdreg s2  }
0xb0: {  	[dreg:$0x3] =	wrdreg s18  }
0xb1: {  	[dreg:$0x4] =	wrdreg s24  }
0xb2: {  	[dreg:$0x5] =	wrdreg $0x0  }
0xb3: {  	[dreg:$0x6] =	wrdreg $0x9  }
0xb4: {  	_ =	task.clear_ibuf [dreg:s8], $0x7FFFF;
	_ =	strace $0x90000046  }
0xb5: {  	s29 =	simm.s32 $0x9;
	_ =	strace $0x80000048  }
0xb6: {  	_ =	swait.ge [sflag:s29], $0x1  }
0xb7: {  	[sflag:s29] =	ssyncadd.s32 $0xFFFFFFFF  }
0xb8: {  	_ =	strace $0x90000048  }
0xb9: {  	_ =	sfence  }
0xba: {  	s30 =	sld [smem:$0x0];
	_ =	sdelay $0x2  }
0xbb: {  	s31 =	sshll.u32 s1, $0xD;
	s1 =	sshrl.u32 s1, $0x2  }
0xbc: {  	s3 =	sand.u32 $0x4000, s31;
	s1 =	sadd.s32 s1, s30  }
0xbd: {  	s0 =	sor.u32 s3, s0;
	s1 =	sshll.u32 s1, $0x11  }
0xbe: {  	s0 =	sor.u32 s1, s0  }
0xbf: {  	s0 =	sadd.s32 $0x8F2B, s0  }
0xc0: {  	[sflag:s0] =	ssyncadd.remote.s32 $0x1  }
0xc1: {  	_ =	sfence.sel $0xFFFF  }
0xc2: {  	[dreg:$0x0] =	wrdreg $0xFFFFFFFF;
	(pc) =	sbr.abs _section_cstart, $3  }
0xc3: {  	[dreg:$0x1] =	wrdreg $0xFFFFFFFF  }
0xc4: {  	_ =	task.clear_ibuf [dreg:s8], $0x2FFFF;
	_ =	strace $0x9FFFFFFF  }
0xc5: {  	(tm) =	ssettm $0x7FFFFFFF  }
tec
execute0_lowered:
.L_overlay_start_1:
0x0: {  	(tag) =	ssettag $0x1  }
0x1: {  	s0 =	rddreg [dreg:$0x0]  }
0x2: {  	s12 =	rddreg [dreg:$0x1]  }
0x3: {  	s6 =	rddreg [dreg:$0x2]  }
0x4: {  	s1 =	srdreg.scid;
	s3 =	rddreg [dreg:$0x3]  }
0x5: {  	s2 =	rddreg [dreg:$0x4];
	s7 =	sand.u32 $0x1, s1  }
0x6: {  	s4 =	simm.s32 $0x0;
	s1 =	stileid.u32;
	s5 =	smul.u32 $0x27800, s7  }
0x7: {  	s16 =	simm.s32 $0x14080;
	s17 =	simm.s32 $0x80;
	s8 =	smul.u32 $0x2780, s1  }
0x8: {  	s18 =	simm.s32 $0x14100;
	s19 =	simm.s32 $0x1;
	s25 =	smul.u32 $0x14000, s1  }
0x9: {  	s20 =	simm.s32 $0x0;
	[smem:$0x7FF] =	sst s4;
	s26 =	smul.u32 $0x140000, s7  }
0xa: {  	_ =	strace $0x80000047;
	s10 =	smul.u32 $0x50000, s1;
	s7 =	ssub.s32 $0x2, s7  }
0xb: {  	s31 =	sshll.u32 s1, $0x6;
	s28 =	sshrl.u32 s7, $0x1;
	s5 =	sadd.s32 s8, s5  }
0xc: {  	s9 =	sshrl.u32 s25, $0x3;
	s8 =	sadd.s32 s25, s26;
	s29 =	sshrl.u32 s10, $0x2  }
0xd: {  	s30 =	ssub.s32 s7, s28;
	s7 =	sor.u32 $0x1C02, s31;
	s13 =	sshrl.u32 s5, $0x3  }
0xe: {  	s9 =	sadd.s32 s9, s6;
	s5 =	sadd.s32 $0x33E00, s6;
	s8 =	sshrl.u32 s8, $0x3  }
0xf: {  	s15 =	sadd.s32 s29, s3;
	s10 =	smax.u32 s30, $0x1;
	s11 =	sadd.s32 s13, s6  }
0x10: {  	s14 =	sadd.s32 s8, s6;
	s6 =	sadd.s32 $0xBE00, s9;
	s12 =	sadd.s32 s13, s12  }
0x11: {  	s13 =	sshrl.u32 s15, $0x3;
	s15 =	simm.s32 $0x14000;
	s8 =	sadd.s32 $0x34600, s14  }
0x12: {  	s9 =	sadd.s32 $0x84600, s14;
	s11 =	sadd.s32 $0x2000, s11;
	s14 =	simm.s32 $0x2  }
.LBB2_1:
0x13: {  	[spmem:s13], [sflag:s7] =	dma.local [hbm:s6], $0x2800  }
0x14: {  	_ =	swait.ge [sflag:s14], $0x2800  }
0x15: {  	[sflag:s14] =	ssyncset.done $0x0  }
0x16: {  	[sflag:s14] =	ssyncadd.s32 $0xFFFFD800  }
0x17: {  	s21 =	sadd.s32 $0x0, s12;
	[bflag:$0x0] =	sbarrier.arrive $0xFFFF  }
0x18: {  	[tilespmem:s15], [sflag:$0x2] =	stream.linear.gather [hbm4b:s21+s4], $0x80, $0x38;
	[tilespmem:$0x18100] =	vst v63  }
0x19: {  	_ =	swait.ge [sflag:s14], $0x80  }
0x1a: {  	[sflag:s14] =	ssyncset.done $0x0  }
0x1b: {  	s31 =	sadd.s32 $0x0, s11;
	[sflag:s14] =	ssyncadd.s32 $0xFFFFFF80  }
0x1c: {  	[tilespmem:s16], [sflag:$0x2] =	stream.linear.gather [hbm4b:s31+s4], $0x80, $0x38;
	[tilespmem:$0x18100] =	vst v63  }
0x1d: {  	_ =	swait.ge [sflag:s14], $0x80  }
0x1e: {  	[sflag:s14] =	ssyncset.done $0x0  }
0x1f: {  	[sflag:s14] =	ssyncadd.s32 $0xFFFFFF80  }
0x20: {  	[tilespmem:s18], [sflag:$0x1] =	stream.indirect.gather [hbm4b:s0+s17], $0x80, s15, s17, $0xb8;
	[tilespmem:$0x18100] =	vst v63  }
0x21: {  	_ =	swait.ge [sflag:s19], $0x4000  }
0x22: {  	[sflag:s19] =	ssyncset.done $0x0  }
0x23: {  	[sflag:s19] =	ssyncadd.s32 $0xFFFFC000  }
0x24: {  	[spmem:s3] =	stream.indirect.scatter.add.f32 [tilespmem:s18], [sflag:$0x2], $0x80, s16, s17, $0xb8;
	[tilespmem:$0x18100] =	vst v63  }
0x25: {  	_ =	swait.ge [sflag:s14], $0x4000  }
0x26: {  	s22 =	simm.s32 $0x20;
	s21 =	simm.s32 $0x10;
	[sflag:s14] =	ssyncset.done $0x0  }
.LBB2_2:
0x27: {  	s23 =	sadd.s32 s21, s12  }
0x28: {  	[sflag:s14] =	ssyncadd.s32 $0xFFFFC000;
	s24 =	smov.u32 s22;
	s25 =	sadd.s32 $0x10, s22  }
0x29: {  	[tilespmem:s15], [sflag:$0x2] =	stream.linear.gather [hbm4b:s23+s4], $0x80, $0x38;
	[tilespmem:$0x18100] =	vst v63  }
0x2a: {  	p0 =	sne.s32 s22, $0x4E0;
	_ =	swait.ge [sflag:s14], $0x80  }
0x2b: {  	[sflag:s14] =	ssyncset.done $0x0  }
0x2c: {  	s22 =	sadd.s32 s21, s11;
	s21 =	smov.u32 s24;
	[sflag:s14] =	ssyncadd.s32 $0xFFFFFF80  }
0x2d: {  	[tilespmem:s16], [sflag:$0x2] =	stream.linear.gather [hbm4b:s22+s4], $0x80, $0x38;
	[tilespmem:$0x18100] =	vst v63  }
0x2e: {  	_ =	swait.ge [sflag:s14], $0x80  }
0x2f: {  	[sflag:s14] =	ssyncset.done $0x0  }
0x30: {  	[sflag:s14] =	ssyncadd.s32 $0xFFFFFF80  }
0x31: {  	[tilespmem:s18], [sflag:$0x1] =	stream.indirect.gather [hbm4b:s0+s17], $0x80, s15, s17, $0xb8;
	[tilespmem:$0x18100] =	vst v63  }
0x32: {  	_ =	swait.ge [sflag:s19], $0x4000  }
.Ltmp0:
0x33: {  	[sflag:s19] =	ssyncset.done $0x0;
	(pc) =	sbr.rel @p0 .LBB2_2-.Ltmp0, $4  }
0x34: {  	[sflag:s19] =	ssyncadd.s32 $0xFFFFC000  }
0x35: {  	[spmem:s3] =	stream.indirect.scatter.add.f32 [tilespmem:s18], [sflag:$0x2], $0x80, s16, s17, $0xb8;
	[tilespmem:$0x18100] =	vst v63  }
0x36: {  	_ =	swait.ge [sflag:s14], $0x4000  }
0x37: {  	s22 =	smov.u32 s25;
	[sflag:s14] =	ssyncset.done $0x0  }
0x38: {  	s22 =	sadd.s32 s21, s12;
	[sflag:s14] =	ssyncadd.s32 $0xFFFFC000  }
0x39: {  	[tilespmem:s15], [sflag:$0x2] =	stream.linear.gather [hbm4b:s22+s4], $0x80, $0x38;
	[tilespmem:$0x18100] =	vst v63  }
0x3a: {  	_ =	swait.ge [sflag:s14], $0x80  }
0x3b: {  	[sflag:s14] =	ssyncset.done $0x0  }
0x3c: {  	s29 =	sadd.s32 s21, s11;
	[sflag:s14] =	ssyncadd.s32 $0xFFFFFF80  }
0x3d: {  	[tilespmem:s16], [sflag:$0x2] =	stream.linear.gather [hbm4b:s29+s4], $0x80, $0x38;
	[tilespmem:$0x18100] =	vst v63  }
0x3e: {  	_ =	swait.ge [sflag:s14], $0x80  }
0x3f: {  	[sflag:s14] =	ssyncset.done $0x0  }
0x40: {  	[sflag:s14] =	ssyncadd.s32 $0xFFFFFF80  }
0x41: {  	[tilespmem:s18], [sflag:$0x1] =	stream.indirect.gather [hbm4b:s0+s17], $0x80, s15, s17, $0xb8;
	[tilespmem:$0x18100] =	vst v63  }
0x42: {  	_ =	swait.ge [sflag:s19], $0x4000  }
0x43: {  	[sflag:s19] =	ssyncset.done $0x0  }
0x44: {  	[sflag:s19] =	ssyncadd.s32 $0xFFFFC000  }
0x45: {  	[spmem:s3] =	stream.indirect.scatter.add.f32 [tilespmem:s18], [sflag:$0x2], $0x80, s16, s17, $0xb8;
	[tilespmem:$0x18100] =	vst v63  }
0x46: {  	_ =	swait.ge [sflag:s14], $0x4000  }
0x47: {  	[sflag:s14] =	ssyncset.done $0x0  }
0x48: {  	[sflag:s14] =	ssyncadd.s32 $0xFFFFC000  }
0x49: {  	[bflag:$0x0] =	sbarrier.arrive $0xFFFF  }
0x4a: {  	[hbm:s8], [sflag:s7] =	dma.local [spmem:s13], $0x2800  }
0x4b: {  	_ =	swait.ge [sflag:s14], $0x2800  }
0x4c: {  	[sflag:s14] =	ssyncset.done $0x0  }
0x4d: {  	[sflag:s14] =	ssyncadd.s32 $0xFFFFD800  }
0x4e: {  	[bflag:$0x0] =	sbarrier.arrive $0xFFFF  }
0x4f: {  	[spmem:s13], [sflag:s7] =	dma.local [hbm:s6], $0x2800  }
0x50: {  	_ =	swait.ge [sflag:s14], $0x2800  }
0x51: {  	[sflag:s14] =	ssyncset.done $0x0  }
0x52: {  	[sflag:s14] =	ssyncadd.s32 $0xFFFFD800  }
0x53: {  	s30 =	simm.s32 $0x0;
	[bflag:$0x0] =	sbarrier.arrive $0xFFFF  }
0x54: {  	[tilespmem:s18], [sflag:$0x2] =	stream.linear.gather [hbm4b:s5+s30], $0x4000, $0x38;
	[tilespmem:$0x18100] =	vst v63  }
0x55: {  	_ =	swait.ge [sflag:s14], $0x4000  }
0x56: {  	[sflag:s14] =	ssyncset.done $0x0  }
0x57: {  	s31 =	sadd.s32 $0x0, s11;
	[sflag:s14] =	ssyncadd.s32 $0xFFFFC000  }
0x58: {  	[tilespmem:s16], [sflag:$0x2] =	stream.linear.gather [hbm4b:s31+s4], $0x80, $0x38;
	[tilespmem:$0x18100] =	vst v63  }
0x59: {  	_ =	swait.ge [sflag:s14], $0x80  }
0x5a: {  	[sflag:s14] =	ssyncset.done $0x0  }
0x5b: {  	[sflag:s14] =	ssyncadd.s32 $0xFFFFFF80  }
0x5c: {  	[spmem:s3] =	stream.indirect.scatter.add.f32 [tilespmem:s18], [sflag:$0x2], $0x80, s16, s17, $0xb8;
	[tilespmem:$0x18100] =	vst v63  }
0x5d: {  	_ =	swait.ge [sflag:s14], $0x4000  }
0x5e: {  	s21 =	simm.s32 $0x10;
	s22 =	simm.s32 $0x20;
	[sflag:s14] =	ssyncset.done $0x0  }
.LBB2_4:
0x5f: {  	s23 =	sadd.s32 s21, s11  }
0x60: {  	[sflag:s14] =	ssyncadd.s32 $0xFFFFC000;
	s21 =	smov.u32 s22;
	s24 =	sadd.s32 $0x10, s22  }
0x61: {  	[tilespmem:s16], [sflag:$0x2] =	stream.linear.gather [hbm4b:s23+s4], $0x80, $0x38;
	[tilespmem:$0x18100] =	vst v63  }
0x62: {  	p0 =	sne.s32 s22, $0x4E0;
	_ =	swait.ge [sflag:s14], $0x80  }
.Ltmp1:
0x63: {  	[sflag:s14] =	ssyncset.done $0x0;
	(pc) =	sbr.rel @p0 .LBB2_4-.Ltmp1, $4  }
0x64: {  	[sflag:s14] =	ssyncadd.s32 $0xFFFFFF80  }
0x65: {  	[spmem:s3] =	stream.indirect.scatter.add.f32 [tilespmem:s18], [sflag:$0x2], $0x80, s16, s17, $0xb8;
	[tilespmem:$0x18100] =	vst v63  }
0x66: {  	_ =	swait.ge [sflag:s14], $0x4000  }
0x67: {  	s22 =	smov.u32 s24;
	[sflag:s14] =	ssyncset.done $0x0  }
0x68: {  	s21 =	sadd.s32 s21, s11;
	[sflag:s14] =	ssyncadd.s32 $0xFFFFC000  }
0x69: {  	[tilespmem:s16], [sflag:$0x2] =	stream.linear.gather [hbm4b:s21+s4], $0x80, $0x38;
	[tilespmem:$0x18100] =	vst v63  }
0x6a: {  	_ =	swait.ge [sflag:s14], $0x80  }
0x6b: {  	[sflag:s14] =	ssyncset.done $0x0  }
0x6c: {  	[sflag:s14] =	ssyncadd.s32 $0xFFFFFF80  }
0x6d: {  	[spmem:s3] =	stream.indirect.scatter.add.f32 [tilespmem:s18], [sflag:$0x2], $0x80, s16, s17, $0xb8;
	[tilespmem:$0x18100] =	vst v63  }
0x6e: {  	_ =	swait.ge [sflag:s14], $0x4000  }
0x6f: {  	s20 =	sadd.s32 $0x1, s20;
	[sflag:s14] =	ssyncset.done $0x0  }
0x70: {  	p0 =	sne.s32 s20, s10;
	[sflag:s14] =	ssyncadd.s32 $0xFFFFC000  }
.Ltmp2:
0x71: {  	[bflag:$0x0] =	sbarrier.arrive $0xFFFF;
	(pc) =	sbr.rel @p0 .LBB2_1-.Ltmp2, $4  }
0x72: {  	[hbm:s9], [sflag:s7] =	dma.local [spmem:s13], $0x2800  }
0x73: {  	_ =	swait.ge [sflag:s14], $0x2800  }
0x74: {  	[sflag:s14] =	ssyncset.done $0x0  }
0x75: {  	[sflag:s14] =	ssyncadd.s32 $0xFFFFD800  }
0x76: {  	_ =	sfence.sel $0x180000  }
0x77: {  	[bflag:$0x0] =	sbarrier.arrive $0xFFFF  }
0x78: {  	p0 =	sne.s32 s1, $0x0;
	_ =	strace $0x90000047  }
0x79: {  	s0 =	sadd.s32 @!p0 $0x100000, s2;
	[bflag:$0x2] =	sbarrier.arrive $0xFFFF  }
0x7a: {  	[sflag:s0] =	ssyncadd.tile.s32 @!p0 $0x1;
	_ =	shalt  }
.Lfunc_end2:
_tile_overlayer_lowered:
.L_overlay_start_2:
0x7b: {  	(tag) =	ssettag $0x2  }
0x7c: {  	s0 =	rddreg [dreg:$0x0];
	s2 =	stileid.u32  }
0x7d: {  	s1 =	rddreg [dreg:$0x1];
	p0 =	sne.s32 s2, $0x0  }
0x7e: {  	s3 =	rddreg [dreg:$0x2];
	[bflag:$0x3] =	sbarrier.arrive $0xFFFF;
	s2 =	simm.s32 @!p0 $0x1C02  }
0x7f: {  	[timem:s3], [sflag:s2] =	dma.local @!p0 [hbm:s0], s1  }
0x80: {  	s0 =	simm.s32 @!p0 $0x2  }
0x81: {  	_ =	swait.ge @!p0 [sflag:s0], s1  }
0x82: {  	s1 =	ssub.s32 @!p0 $0x0, s1;
	[sflag:s0] =	ssyncset.done @!p0 $0x0  }
0x83: {  	[sflag:s0] =	ssyncadd.s32 @!p0 s1  }
0x84: {  	[bflag:$0x3] =	sbarrier.arrive $0xFFFF  }
0x85: {  	_ =	shalt  }

</sc_bundles>
